<compile_context>
chip_gen: v7x
topology: tpu7x:2x2x1
jax: 0.10.2.dev20260603
libtpu: 0.0.44.dev20260713+nightly
codegen_flags: <defaults>
</compile_context>

<pallas_src>
import functools

import jax
import jax.numpy as jnp
from jax import lax
from jax.experimental import pallas as pl
from jax.experimental.pallas import tpu as pltpu
from jax.experimental.pallas import tpu_sc as plsc

BATCH = 16384
C = 1000
D = 256
ES = 10
MOM = 0.9
CM = 128
CT = C - CM

NC = 2
NS = 16
STRIP = 128
NSTRIP = max(CM // STRIP, 1)
NGRP = 32
GRP_ROWS = BATCH // NGRP
SCCH = 128
NSCCH = GRP_ROWS // SCCH


def _seg_sum_body(logits_hbm, idxs_hbm, zeros_hbm, out_hbm,
                  xb0, xb1, ib0, ib1, acc_v, xs0, xs1, is0, is1):
    cid = lax.axis_index("c")
    sid = lax.axis_index("s")
    w = sid * NC + cid
    st = w % NSTRIP
    g = w // NSTRIP
    xbufs, ibufs = (xb0, xb1), (ib0, ib1)
    xsems, isems = (xs0, xs1), (is0, is1)

    @pl.when(w < NSTRIP * NGRP)
    def _():
        col0 = lax.broadcasted_iota(jnp.int32, (16,), 0)

        def start(ch, b):
            r0 = g * GRP_ROWS + ch * SCCH
            pltpu.async_copy(
                logits_hbm.at[pl.ds(r0, SCCH), pl.ds(st * STRIP, STRIP)],
                xbufs[b], xsems[b])
            pltpu.async_copy(idxs_hbm.at[pl.ds(r0, SCCH)], ibufs[b], isems[b])

        def wait(b):
            pltpu.make_async_copy(
                logits_hbm.at[pl.ds(0, SCCH), pl.ds(0, STRIP)],
                xbufs[b], xsems[b]).wait()
            pltpu.make_async_copy(idxs_hbm.at[pl.ds(0, SCCH)], ibufs[b],
                                  isems[b]).wait()

        def process(b):
            xbuf, ibuf = xbufs[b], ibufs[b]

            @plsc.parallel_loop(0, SCCH, 1, unroll=8)
            def body(j):
                bvec = ibuf[j, :]
                for gi in range(STRIP // 16):
                    xv = xbuf[j, pl.ds(gi * 16, 16)]
                    plsc.addupdate_scatter(acc_v, [bvec, col0 + (gi * 16)], xv)

        start(0, 0)
        pltpu.sync_copy(zeros_hbm, acc_v)

        def pbody(p, carry):
            ch0 = 2 * p
            start(ch0 + 1, 1)
            wait(0)
            process(0)

            @pl.when(p + 1 < NSCCH // 2)
            def _():
                start(ch0 + 2, 0)

            wait(1)
            process(1)
            return carry

        lax.fori_loop(0, NSCCH // 2, pbody, 0)
        pltpu.sync_copy(acc_v, out_hbm.at[g, :, pl.ds(st * STRIP, STRIP)])


@functools.cache
def _seg_sum():
    mesh = plsc.VectorSubcoreMesh(core_axis_name="c", subcore_axis_name="s",
                                  num_cores=NC, num_subcores=NS)
    return pl.kernel(
        _seg_sum_body,
        out_type=jax.ShapeDtypeStruct((NGRP, D, CM), jnp.float32),
        mesh=mesh,
        compiler_params=pltpu.CompilerParams(needs_layout_passes=False,
                                             has_side_effects=False),
        cost_estimate=pl.CostEstimate(flops=2_097_152,
                                      bytes_accessed=13_631_488,
                                      transcendentals=0),
        scratch_types=[
            pltpu.VMEM((SCCH, STRIP), jnp.float32),
            pltpu.VMEM((SCCH, STRIP), jnp.float32),
            pltpu.VMEM((SCCH, 16), jnp.int32),
            pltpu.VMEM((SCCH, 16), jnp.int32),
            pltpu.VMEM((D, STRIP), jnp.float32),
            pltpu.SemaphoreType.DMA,
            pltpu.SemaphoreType.DMA,
            pltpu.SemaphoreType.DMA,
            pltpu.SemaphoreType.DMA,
        ],
    )


BB = 512
NB = BATCH // BB


def _dense_body(x_ref, lab_ref, idx_ref, acc_ref, lseb_ref, xtail_ref):
    i = pl.program_id(0)
    x = x_ref[...]
    m = jnp.max(x, axis=1, keepdims=True)
    t = x - m
    e = jnp.exp(t)
    s = jnp.sum(e, axis=1, keepdims=True)
    u = jnp.sum(t * e, axis=1, keepdims=True)
    logs = jnp.log(s)
    lse = m + logs
    lab = lab_ref[0, 0, :]
    col = lax.broadcasted_iota(jnp.int32, (BB, C), 1)
    xlab = jnp.sum(jnp.where(col == lab[:, None], x, 0.0), axis=1, keepdims=True)
    sum_ce = jnp.sum(lse - xlab)
    sum_plogp = jnp.sum(u / s - logs)
    idx = idx_ref[0, 0, :]
    r = lax.broadcasted_iota(jnp.int32, (BB, D), 1)
    onehot = (r == idx[:, None]).astype(jnp.float32)
    contrib = jnp.sum(onehot * lse, axis=0, keepdims=True)
    xt = x[:, CM:].astype(jnp.bfloat16)
    xtail_blk = lax.dot_general(onehot.astype(jnp.bfloat16), xt,
                                (((0,), (0,)), ((), ())),
                                preferred_element_type=jnp.float32)
    lane = lax.broadcasted_iota(jnp.int32, (1, 128), 1)
    accv = jnp.where(lane == 0, sum_ce, 0.0) + jnp.where(lane == 1, sum_plogp, 0.0)

    @pl.when(i == 0)
    def _():
        acc_ref[...] = accv
        lseb_ref[...] = contrib
        xtail_ref[...] = xtail_blk

    @pl.when(i > 0)
    def _():
        acc_ref[...] += accv
        lseb_ref[...] += contrib
        xtail_ref[...] += xtail_blk


_dense = pl.pallas_call(
    _dense_body,
    grid=(NB,),
    in_specs=[
        pl.BlockSpec((BB, C), lambda i: (i, 0)),
        pl.BlockSpec((1, 1, BB), lambda i: (i, 0, 0)),
        pl.BlockSpec((1, 1, BB), lambda i: (i, 0, 0)),
    ],
    out_specs=[
        pl.BlockSpec((1, 128), lambda i: (0, 0)),
        pl.BlockSpec((1, D), lambda i: (0, 0)),
        pl.BlockSpec((D, CT), lambda i: (0, 0)),
    ],
    out_shape=[
        jax.ShapeDtypeStruct((1, 128), jnp.float32),
        jax.ShapeDtypeStruct((1, D), jnp.float32),
        jax.ShapeDtypeStruct((D, CT), jnp.float32),
    ],
)


def _combine_body(xp_ref, xtail_ref, sl_ref, lseb_ref, acc_ref, out_ref):
    Xm = xp_ref[0]
    for gq in range(1, NGRP):
        Xm = Xm + xp_ref[gq]
    S = sl_ref[...]
    wsum = jnp.sum(S[:, :CM] * Xm) + jnp.sum(S[:, CM:] * xtail_ref[...])
    zs = jnp.sum(S, axis=1, keepdims=True)
    lsez = jnp.dot(lseb_ref[...], zs,
                   preferred_element_type=jnp.float32)[0, 0]
    sum_ce = acc_ref[0, 0]
    sum_plogp = acc_ref[0, 1]
    ce = sum_ce / BATCH
    selc = -(MOM * (wsum - lsez) + (1.0 - MOM) * sum_plogp) / BATCH
    lane = lax.broadcasted_iota(jnp.int32, (1, 2), 1)
    out_ref[...] = jnp.where(lane == 0, ce, selc)


_combine = pl.pallas_call(
    _combine_body,
    out_shape=jax.ShapeDtypeStruct((1, 2), jnp.float32),
)


def kernel(logits, labels, index, epoch, soft_labels):
    idx_splat = jnp.broadcast_to(index[:, None], (BATCH, 16))
    zeros = jnp.zeros((D, STRIP), jnp.float32)
    xacc = _seg_sum()(logits, idx_splat, zeros)
    labels3 = labels.reshape(NB, 1, BB)
    index3 = index.reshape(NB, 1, BB)
    acc, lseb, xtail = _dense(logits, labels3, index3)
    out = _combine(xacc, xtail, soft_labels, lseb, acc)
    return jnp.where(epoch <= ES, out[0, 0], out[0, 1])

# --- scband reference (transcript-rebuilt; emitter-appended) ---
"""Pipeline reference for scband-selcloss-3350074491208 (READ-ONLY COPY).

The authoritative reference and input builder live on the scoring server;
editing this copy changes nothing except your own understanding.
"""

import jax, jax.numpy as jnp
import numpy as np

NUM_CLASSES = 1000
DATASET_SIZE = 256
BATCH = 16384
ES = 10
MOMENTUM = 0.9

def setup_inputs(seed: int = 0):
    key = jax.random.key(seed)
    k1, k2, k3 = jax.random.split(key, 3)
    logits = jax.random.normal(k1, (BATCH, NUM_CLASSES), dtype=jnp.float32)
    labels = jax.random.randint(k2, (BATCH,), 0, NUM_CLASSES, dtype=jnp.int32)
    index = jax.random.randint(k3, (BATCH,), 0, DATASET_SIZE, dtype=jnp.int32)
    init_labels = jnp.zeros((DATASET_SIZE,), dtype=jnp.int32)
    soft_labels = jnp.zeros((DATASET_SIZE, NUM_CLASSES), dtype=jnp.float32).at[jnp.arange(DATASET_SIZE), init_labels].set(1.0)
    return {"logits": logits, "labels": labels, "index": index, "epoch": 11, "soft_labels": soft_labels}

def reference(logits, labels, index, epoch, soft_labels):
    # log(softmax(logits)) computed stably; math identical to torch.log(F.softmax(...))
    logp = jax.nn.log_softmax(logits, axis=1)
    ce = -jnp.take_along_axis(logp, labels[:, None], axis=1).squeeze(1)
    ce_loss = jnp.mean(ce)
    pred_detach = jax.lax.stop_gradient(jax.nn.softmax(logits, axis=1))
    gathered = jnp.take(soft_labels, index, axis=0)
    updated = MOMENTUM * gathered + (1.0 - MOMENTUM) * pred_detach
    # torch version writes `updated` back into the soft_labels buffer in-place;
    # functional equivalent of the returned loss uses `updated` directly.
    selc = -jnp.sum(logp * updated, axis=1)
    selc_loss = jnp.mean(selc)
    return jnp.where(epoch <= ES, ce_loss, selc_loss)

if __name__ == "__main__":
    import jax
    _d = setup_inputs()
    print(jax.jit(kernel)(*tuple(_d.values())))

</pallas_src>

<mosaic_0001>
#map = affine_map<(d0, d1) -> (0, 0)>
#map1 = affine_map<(d0, d1) -> (0, 0, 0)>
module attributes {stable_mosaic.version = 14 : i64} {
  func.func @_seg_sum_body(%arg0: i32, %arg1: i32, %arg2: memref<16384x1000xf32, #tpu.memory_space<hbm>>, %arg3: memref<16384x16xi32, #tpu.memory_space<hbm>>, %arg4: memref<256x128xf32, #tpu.memory_space<hbm>>, %arg5: memref<32x256x128xf32, #tpu.memory_space<hbm>>, %arg6: memref<128x128xf32, #tpu.memory_space<vmem>>, %arg7: memref<128x128xf32, #tpu.memory_space<vmem>>, %arg8: memref<128x16xi32, #tpu.memory_space<vmem>>, %arg9: memref<128x16xi32, #tpu.memory_space<vmem>>, %arg10: memref<256x128xf32, #tpu.memory_space<vmem>>, %arg11: memref<!tpu.dma_semaphore, #tpu.memory_space<semaphore_mem>>, %arg12: memref<!tpu.dma_semaphore, #tpu.memory_space<semaphore_mem>>, %arg13: memref<!tpu.dma_semaphore, #tpu.memory_space<semaphore_mem>>, %arg14: memref<!tpu.dma_semaphore, #tpu.memory_space<semaphore_mem>>) attributes {dimension_semantics = [#tpu.dimension_semantics<core_parallel>, #tpu.dimension_semantics<subcore_parallel>], iteration_bounds = array<i64: 2, 16>, scalar_prefetch = 0 : i64, scratch_operands = 9 : i64, tpu.core_type = #tpu.core_type<sc_vector_subcore>, window_params = [{transform_indices = #map}, {transform_indices = #map}, {transform_indices = #map}, {transform_indices = #map1}]} {
    %mul3A = arith.constant 2 : i32
    %mul3A_0 = arith.muli %arg1, %mul3A : i32
    %add3A = arith.addi %mul3A_0, %arg0 : i32
    %jit3A = arith.constant 1 : i32
    %eq3A = arith.constant 0 : i32
    %eq3A_1 = arith.cmpi eq, %jit3A, %eq3A : i32
    %jit3A_2 = arith.constant 1 : i32
    %select_n3A = arith.select %eq3A_1, %jit3A_2, %jit3A : i32
    %rem3A = arith.remsi %add3A, %select_n3A : i32
    %ne3A = arith.constant 0 : i32
    %ne3A_3 = arith.cmpi ne, %rem3A, %ne3A : i32
    %lt3A = arith.constant 0 : i32
    %lt3A_4 = arith.cmpi slt, %rem3A, %lt3A : i32
    %lt3A_5 = arith.constant 0 : i32
    %lt3A_6 = arith.cmpi slt, %select_n3A, %lt3A_5 : i32
    %ne3A_7 = arith.xori %lt3A_4, %lt3A_6 : i1
    %and3A = arith.andi %ne3A_7, %ne3A_3 : i1
    %add3A_8 = arith.addi %rem3A, %select_n3A : i32
    %select_n3A_9 = arith.select %and3A, %add3A_8, %rem3A : i32
    %jit3A_10 = arith.constant 1 : i32
    %div3A = arith.divsi %add3A, %jit3A_10 : i32
    %sign3A = arith.constant 0 : i32
    %sign3A_11 = arith.cmpi sgt, %add3A, %sign3A : i32
    %sign3A_12 = arith.extui %sign3A_11 : i1 to i32
    %sign3A_13 = arith.constant 0 : i32
    %sign3A_14 = arith.cmpi slt, %add3A, %sign3A_13 : i32
    %sign3A_15 = arith.extui %sign3A_14 : i1 to i32
    %sign3A_16 = arith.subi %sign3A_12, %sign3A_15 : i32
    %sign3A_17 = arith.constant 0 : i32
    %sign3A_18 = arith.cmpi sgt, %jit3A_10, %sign3A_17 : i32
    %sign3A_19 = arith.extui %sign3A_18 : i1 to i32
    %sign3A_20 = arith.constant 0 : i32
    %sign3A_21 = arith.cmpi slt, %jit3A_10, %sign3A_20 : i32
    %sign3A_22 = arith.extui %sign3A_21 : i1 to i32
    %sign3A_23 = arith.subi %sign3A_19, %sign3A_22 : i32
    %ne3A_24 = arith.cmpi ne, %sign3A_16, %sign3A_23 : i32
    %rem3A_25 = arith.remsi %add3A, %jit3A_10 : i32
    %ne3A_26 = arith.constant 0 : i32
    %ne3A_27 = arith.cmpi ne, %rem3A_25, %ne3A_26 : i32
    %and3A_28 = arith.andi %ne3A_24, %ne3A_27 : i1
    %sub3A = arith.constant 1 : i32
    %sub3A_29 = arith.subi %div3A, %sub3A : i32
    %select_n3A_30 = arith.select %and3A_28, %sub3A_29, %div3A : i32
    %lt3A_31 = arith.constant 32 : i32
    %lt3A_32 = arith.cmpi slt, %add3A, %lt3A_31 : i32
    %convert_element_type3A = arith.extui %lt3A_32 : i1 to i32
    %cond3A = arith.constant 0 : i32
    %cond3A_33 = arith.cmpi ne, %convert_element_type3A, %cond3A : i32
    scf.if %cond3A_33 {
      %iota3A = tpu.iota {dimensions = array<i32: 0>} : vector<16xi32>
      %mul3A_34 = arith.constant 512 : i32
      %mul3A_35 = arith.muli %select_n3A_30, %mul3A_34 : i32
      %add3A_36 = arith.constant 0 : i32
      %add3A_37 = arith.addi %mul3A_35, %add3A_36 : i32
      %mul3A_38 = arith.constant 128 : i32
      %mul3A_39 = arith.muli %select_n3A_9, %mul3A_38 : i32
      %dma_start3A = tpu.memref_slice %arg2[%add3A_37, %mul3A_39] : memref<16384x1000xf32, #tpu.memory_space<hbm>> -> memref<128x128xf32, #tpu.memory_space<hbm>>
      %dma_start3A_40 = tpu.memref_slice %arg2[%add3A_37, %mul3A_39] : memref<16384x1000xf32, #tpu.memory_space<hbm>> -> memref<128x128xf32, #tpu.memory_space<hbm>>
      tpu.enqueue_dma source(%dma_start3A_40 : memref<128x128xf32, #tpu.memory_space<hbm>>) target(%arg6 : memref<128x128xf32, #tpu.memory_space<vmem>>) target_semaphore(%arg11 : memref<!tpu.dma_semaphore, #tpu.memory_space<semaphore_mem>>)
      %dma_start3A_41 = arith.constant 0 : i32
      %dma_start3A_42 = tpu.memref_slice %arg3[%add3A_37, %dma_start3A_41] : memref<16384x16xi32, #tpu.memory_space<hbm>> -> memref<128x16xi32, #tpu.memory_space<hbm>>
      %dma_start3A_43 = arith.constant 0 : i32
      %dma_start3A_44 = tpu.memref_slice %arg3[%add3A_37, %dma_start3A_43] : memref<16384x16xi32, #tpu.memory_space<hbm>> -> memref<128x16xi32, #tpu.memory_space<hbm>>
      tpu.enqueue_dma source(%dma_start3A_44 : memref<128x16xi32, #tpu.memory_space<hbm>>) target(%arg8 : memref<128x16xi32, #tpu.memory_space<vmem>>) target_semaphore(%arg13 : memref<!tpu.dma_semaphore, #tpu.memory_space<semaphore_mem>>)
      "tpu.region"() ({
        %run_scoped3A = tpu.sem_alloc : memref<!tpu.dma_semaphore, #tpu.memory_space<semaphore_mem>>
        tpu.enqueue_dma source(%arg4 : memref<256x128xf32, #tpu.memory_space<hbm>>) target(%arg10 : memref<256x128xf32, #tpu.memory_space<vmem>>) target_semaphore(%run_scoped3A : memref<!tpu.dma_semaphore, #tpu.memory_space<semaphore_mem>>)
        tpu.wait_dma2 semaphore(%run_scoped3A : memref<!tpu.dma_semaphore, #tpu.memory_space<semaphore_mem>>) src(%arg4 : memref<256x128xf32, #tpu.memory_space<hbm>>) dst(%arg10 : memref<256x128xf32, #tpu.memory_space<vmem>>)
        tpu.yield
      }) : () -> ()
      %scan3A = arith.constant 0 : i32
      %scan3A_45 = arith.constant 0 : i32
      %scan3A_46 = arith.constant 2 : i32
      %scan3A_47 = arith.addi %scan3A_45, %scan3A_46 : i32
      %scan3A_48 = arith.constant 1 : i32
      scf.for %scan3A_52 = %scan3A_45 to %scan3A_47 step %scan3A_48  : i32 {
        %mul3A_53 = arith.constant 2 : i32
        %mul3A_54 = arith.muli %mul3A_53, %scan3A_52 : i32
        %add3A_55 = arith.constant 1 : i32
        %add3A_56 = arith.addi %mul3A_54, %add3A_55 : i32
        %mul3A_57 = arith.constant 512 : i32
        %mul3A_58 = arith.muli %select_n3A_30, %mul3A_57 : i32
        %mul3A_59 = arith.constant 128 : i32
        %mul3A_60 = arith.muli %add3A_56, %mul3A_59 : i32
        %add3A_61 = arith.addi %mul3A_58, %mul3A_60 : i32
        %mul3A_62 = arith.constant 128 : i32
        %mul3A_63 = arith.muli %select_n3A_9, %mul3A_62 : i32
        %dma_start3A_64 = tpu.memref_slice %arg2[%add3A_61, %mul3A_63] : memref<16384x1000xf32, #tpu.memory_space<hbm>> -> memref<128x128xf32, #tpu.memory_space<hbm>>
        %dma_start3A_65 = tpu.memref_slice %arg2[%add3A_61, %mul3A_63] : memref<16384x1000xf32, #tpu.memory_space<hbm>> -> memref<128x128xf32, #tpu.memory_space<hbm>>
        tpu.enqueue_dma source(%dma_start3A_65 : memref<128x128xf32, #tpu.memory_space<hbm>>) target(%arg7 : memref<128x128xf32, #tpu.memory_space<vmem>>) target_semaphore(%arg12 : memref<!tpu.dma_semaphore, #tpu.memory_space<semaphore_mem>>)
        %dma_start3A_66 = arith.constant 0 : i32
        %dma_start3A_67 = tpu.memref_slice %arg3[%add3A_61, %dma_start3A_66] : memref<16384x16xi32, #tpu.memory_space<hbm>> -> memref<128x16xi32, #tpu.memory_space<hbm>>
        %dma_start3A_68 = arith.constant 0 : i32
        %dma_start3A_69 = tpu.memref_slice %arg3[%add3A_61, %dma_start3A_68] : memref<16384x16xi32, #tpu.memory_space<hbm>> -> memref<128x16xi32, #tpu.memory_space<hbm>>
        tpu.enqueue_dma source(%dma_start3A_69 : memref<128x16xi32, #tpu.memory_space<hbm>>) target(%arg9 : memref<128x16xi32, #tpu.memory_space<vmem>>) target_semaphore(%arg14 : memref<!tpu.dma_semaphore, #tpu.memory_space<semaphore_mem>>)
        %dma_wait3A = arith.constant 0 : i32
        %dma_wait3A_70 = arith.constant 0 : i32
        %dma_wait3A_71 = tpu.memref_slice %arg2[%dma_wait3A, %dma_wait3A_70] : memref<16384x1000xf32, #tpu.memory_space<hbm>> -> memref<128x128xf32, #tpu.memory_space<hbm>>
        %dma_wait3A_72 = arith.constant 0 : i32
        %dma_wait3A_73 = arith.constant 0 : i32
        %dma_wait3A_74 = tpu.memref_slice %arg2[%dma_wait3A_72, %dma_wait3A_73] : memref<16384x1000xf32, #tpu.memory_space<hbm>> -> memref<128x128xf32, #tpu.memory_space<hbm>>
        tpu.wait_dma2 semaphore(%arg11 : memref<!tpu.dma_semaphore, #tpu.memory_space<semaphore_mem>>) src(%dma_wait3A_74 : memref<128x128xf32, #tpu.memory_space<hbm>>) dst(%arg6 : memref<128x128xf32, #tpu.memory_space<vmem>>)
        %dma_wait3A_75 = arith.constant 0 : i32
        %dma_wait3A_76 = arith.constant 0 : i32
        %dma_wait3A_77 = tpu.memref_slice %arg3[%dma_wait3A_75, %dma_wait3A_76] : memref<16384x16xi32, #tpu.memory_space<hbm>> -> memref<128x16xi32, #tpu.memory_space<hbm>>
        %dma_wait3A_78 = arith.constant 0 : i32
        %dma_wait3A_79 = arith.constant 0 : i32
        %dma_wait3A_80 = tpu.memref_slice %arg3[%dma_wait3A_78, %dma_wait3A_79] : memref<16384x16xi32, #tpu.memory_space<hbm>> -> memref<128x16xi32, #tpu.memory_space<hbm>>
        tpu.wait_dma2 semaphore(%arg13 : memref<!tpu.dma_semaphore, #tpu.memory_space<semaphore_mem>>) src(%dma_wait3A_80 : memref<128x16xi32, #tpu.memory_space<hbm>>) dst(%arg8 : memref<128x16xi32, #tpu.memory_space<vmem>>)
        %parallel_loop3A = arith.constant 0 : i32
        %parallel_loop3A_81 = arith.constant 128 : i32
        %parallel_loop3A_82 = arith.constant 1 : i32
        scf.for %parallel_loop3A_105 = %parallel_loop3A to %parallel_loop3A_81 step %parallel_loop3A_82  : i32 {
          %parallel_loop3A_106 = arith.index_cast %parallel_loop3A_105 : i32 to index
          %parallel_loop3A_107 = arith.constant 0 : index
          %parallel_loop3A_108 = tpu.vector_load %arg8[%parallel_loop3A_106, %parallel_loop3A_107] {strides = array<i32>} : memref<128x16xi32, #tpu.memory_space<vmem>>, vector<16xi32>,
          %parallel_loop3A_109 = arith.index_cast %parallel_loop3A_105 : i32 to index
          %parallel_loop3A_110 = arith.constant 0 : index
          %parallel_loop3A_111 = tpu.vector_load %arg6[%parallel_loop3A_109, %parallel_loop3A_110] {strides = array<i32>} : memref<128x128xf32, #tpu.memory_space<vmem>>, vector<16xf32>,
          %parallel_loop3A_112 = arith.constant 0 : i32
          %parallel_loop3A_113 = vector.broadcast %parallel_loop3A_112 : i32 to vector<16xi32>
          %parallel_loop3A_114 = arith.addi %iota3A, %parallel_loop3A_113 : vector<16xi32>
          tpu.vector_store_idx %arg10[%parallel_loop3A_108, %parallel_loop3A_114], %parallel_loop3A_111 {add = true} : memref<256x128xf32, #tpu.memory_space<vmem>>[vector<16xi32>, vector<16xi32>], vector<16xf32>,
          %parallel_loop3A_115 = arith.index_cast %parallel_loop3A_105 : i32 to index
          %parallel_loop3A_116 = arith.constant 16 : index
          %parallel_loop3A_117 = tpu.vector_load %arg6[%parallel_loop3A_115, %parallel_loop3A_116] {strides = array<i32>} : memref<128x128xf32, #tpu.memory_space<vmem>>, vector<16xf32>,
          %parallel_loop3A_118 = arith.constant 16 : i32
          %parallel_loop3A_119 = vector.broadcast %parallel_loop3A_118 : i32 to vector<16xi32>
          %parallel_loop3A_120 = arith.addi %iota3A, %parallel_loop3A_119 : vector<16xi32>
          tpu.vector_store_idx %arg10[%parallel_loop3A_108, %parallel_loop3A_120], %parallel_loop3A_117 {add = true} : memref<256x128xf32, #tpu.memory_space<vmem>>[vector<16xi32>, vector<16xi32>], vector<16xf32>,
          %parallel_loop3A_121 = arith.index_cast %parallel_loop3A_105 : i32 to index
          %parallel_loop3A_122 = arith.constant 32 : index
          %parallel_loop3A_123 = tpu.vector_load %arg6[%parallel_loop3A_121, %parallel_loop3A_122] {strides = array<i32>} : memref<128x128xf32, #tpu.memory_space<vmem>>, vector<16xf32>,
          %parallel_loop3A_124 = arith.constant 32 : i32
          %parallel_loop3A_125 = vector.broadcast %parallel_loop3A_124 : i32 to vector<16xi32>
          %parallel_loop3A_126 = arith.addi %iota3A, %parallel_loop3A_125 : vector<16xi32>
          tpu.vector_store_idx %arg10[%parallel_loop3A_108, %parallel_loop3A_126], %parallel_loop3A_123 {add = true} : memref<256x128xf32, #tpu.memory_space<vmem>>[vector<16xi32>, vector<16xi32>], vector<16xf32>,
          %parallel_loop3A_127 = arith.index_cast %parallel_loop3A_105 : i32 to index
          %parallel_loop3A_128 = arith.constant 48 : index
          %parallel_loop3A_129 = tpu.vector_load %arg6[%parallel_loop3A_127, %parallel_loop3A_128] {strides = array<i32>} : memref<128x128xf32, #tpu.memory_space<vmem>>, vector<16xf32>,
          %parallel_loop3A_130 = arith.constant 48 : i32
          %parallel_loop3A_131 = vector.broadcast %parallel_loop3A_130 : i32 to vector<16xi32>
          %parallel_loop3A_132 = arith.addi %iota3A, %parallel_loop3A_131 : vector<16xi32>
          tpu.vector_store_idx %arg10[%parallel_loop3A_108, %parallel_loop3A_132], %parallel_loop3A_129 {add = true} : memref<256x128xf32, #tpu.memory_space<vmem>>[vector<16xi32>, vector<16xi32>], vector<16xf32>,
          %parallel_loop3A_133 = arith.index_cast %parallel_loop3A_105 : i32 to index
          %parallel_loop3A_134 = arith.constant 64 : index
          %parallel_loop3A_135 = tpu.vector_load %arg6[%parallel_loop3A_133, %parallel_loop3A_134] {strides = array<i32>} : memref<128x128xf32, #tpu.memory_space<vmem>>, vector<16xf32>,
          %parallel_loop3A_136 = arith.constant 64 : i32
          %parallel_loop3A_137 = vector.broadcast %parallel_loop3A_136 : i32 to vector<16xi32>
          %parallel_loop3A_138 = arith.addi %iota3A, %parallel_loop3A_137 : vector<16xi32>
          tpu.vector_store_idx %arg10[%parallel_loop3A_108, %parallel_loop3A_138], %parallel_loop3A_135 {add = true} : memref<256x128xf32, #tpu.memory_space<vmem>>[vector<16xi32>, vector<16xi32>], vector<16xf32>,
          %parallel_loop3A_139 = arith.index_cast %parallel_loop3A_105 : i32 to index
          %parallel_loop3A_140 = arith.constant 80 : index
          %parallel_loop3A_141 = tpu.vector_load %arg6[%parallel_loop3A_139, %parallel_loop3A_140] {strides = array<i32>} : memref<128x128xf32, #tpu.memory_space<vmem>>, vector<16xf32>,
          %parallel_loop3A_142 = arith.constant 80 : i32
          %parallel_loop3A_143 = vector.broadcast %parallel_loop3A_142 : i32 to vector<16xi32>
          %parallel_loop3A_144 = arith.addi %iota3A, %parallel_loop3A_143 : vector<16xi32>
          tpu.vector_store_idx %arg10[%parallel_loop3A_108, %parallel_loop3A_144], %parallel_loop3A_141 {add = true} : memref<256x128xf32, #tpu.memory_space<vmem>>[vector<16xi32>, vector<16xi32>], vector<16xf32>,
          %parallel_loop3A_145 = arith.index_cast %parallel_loop3A_105 : i32 to index
          %parallel_loop3A_146 = arith.constant 96 : index
          %parallel_loop3A_147 = tpu.vector_load %arg6[%parallel_loop3A_145, %parallel_loop3A_146] {strides = array<i32>} : memref<128x128xf32, #tpu.memory_space<vmem>>, vector<16xf32>,
          %parallel_loop3A_148 = arith.constant 96 : i32
          %parallel_loop3A_149 = vector.broadcast %parallel_loop3A_148 : i32 to vector<16xi32>
          %parallel_loop3A_150 = arith.addi %iota3A, %parallel_loop3A_149 : vector<16xi32>
          tpu.vector_store_idx %arg10[%parallel_loop3A_108, %parallel_loop3A_150], %parallel_loop3A_147 {add = true} : memref<256x128xf32, #tpu.memory_space<vmem>>[vector<16xi32>, vector<16xi32>], vector<16xf32>,
          %parallel_loop3A_151 = arith.index_cast %parallel_loop3A_105 : i32 to index
          %parallel_loop3A_152 = arith.constant 112 : index
          %parallel_loop3A_153 = tpu.vector_load %arg6[%parallel_loop3A_151, %parallel_loop3A_152] {strides = array<i32>} : memref<128x128xf32, #tpu.memory_space<vmem>>, vector<16xf32>,
          %parallel_loop3A_154 = arith.constant 112 : i32
          %parallel_loop3A_155 = vector.broadcast %parallel_loop3A_154 : i32 to vector<16xi32>
          %parallel_loop3A_156 = arith.addi %iota3A, %parallel_loop3A_155 : vector<16xi32>
          tpu.vector_store_idx %arg10[%parallel_loop3A_108, %parallel_loop3A_156], %parallel_loop3A_153 {add = true} : memref<256x128xf32, #tpu.memory_space<vmem>>[vector<16xi32>, vector<16xi32>], vector<16xf32>,
        } {sc.loop_unroll_factor = 8 : i64, sc.parallel_access}
        %add3A_83 = arith.constant 1 : i32
        %add3A_84 = arith.addi %scan3A_52, %add3A_83 : i32
        %lt3A_85 = arith.constant 2 : i32
        %lt3A_86 = arith.cmpi slt, %add3A_84, %lt3A_85 : i32
        %convert_element_type3A_87 = arith.extui %lt3A_86 : i1 to i32
        %cond3A_88 = arith.constant 0 : i32
        %cond3A_89 = arith.cmpi ne, %convert_element_type3A_87, %cond3A_88 : i32
        scf.if %cond3A_89 {
          %add3A_105 = arith.constant 2 : i32
          %add3A_106 = arith.addi %mul3A_54, %add3A_105 : i32
          %mul3A_107 = arith.constant 512 : i32
          %mul3A_108 = arith.muli %select_n3A_30, %mul3A_107 : i32
          %mul3A_109 = arith.constant 128 : i32
          %mul3A_110 = arith.muli %add3A_106, %mul3A_109 : i32
          %add3A_111 = arith.addi %mul3A_108, %mul3A_110 : i32
          %mul3A_112 = arith.constant 128 : i32
          %mul3A_113 = arith.muli %select_n3A_9, %mul3A_112 : i32
          %dma_start3A_114 = tpu.memref_slice %arg2[%add3A_111, %mul3A_113] : memref<16384x1000xf32, #tpu.memory_space<hbm>> -> memref<128x128xf32, #tpu.memory_space<hbm>>
          %dma_start3A_115 = tpu.memref_slice %arg2[%add3A_111, %mul3A_113] : memref<16384x1000xf32, #tpu.memory_space<hbm>> -> memref<128x128xf32, #tpu.memory_space<hbm>>
          tpu.enqueue_dma source(%dma_start3A_115 : memref<128x128xf32, #tpu.memory_space<hbm>>) target(%arg6 : memref<128x128xf32, #tpu.memory_space<vmem>>) target_semaphore(%arg11 : memref<!tpu.dma_semaphore, #tpu.memory_space<semaphore_mem>>)
          %dma_start3A_116 = arith.constant 0 : i32
          %dma_start3A_117 = tpu.memref_slice %arg3[%add3A_111, %dma_start3A_116] : memref<16384x16xi32, #tpu.memory_space<hbm>> -> memref<128x16xi32, #tpu.memory_space<hbm>>
          %dma_start3A_118 = arith.constant 0 : i32
          %dma_start3A_119 = tpu.memref_slice %arg3[%add3A_111, %dma_start3A_118] : memref<16384x16xi32, #tpu.memory_space<hbm>> -> memref<128x16xi32, #tpu.memory_space<hbm>>
          tpu.enqueue_dma source(%dma_start3A_119 : memref<128x16xi32, #tpu.memory_space<hbm>>) target(%arg8 : memref<128x16xi32, #tpu.memory_space<vmem>>) target_semaphore(%arg13 : memref<!tpu.dma_semaphore, #tpu.memory_space<semaphore_mem>>)
        } else {
        }
        %dma_wait3A_90 = arith.constant 0 : i32
        %dma_wait3A_91 = arith.constant 0 : i32
        %dma_wait3A_92 = tpu.memref_slice %arg2[%dma_wait3A_90, %dma_wait3A_91] : memref<16384x1000xf32, #tpu.memory_space<hbm>> -> memref<128x128xf32, #tpu.memory_space<hbm>>
        %dma_wait3A_93 = arith.constant 0 : i32
        %dma_wait3A_94 = arith.constant 0 : i32
        %dma_wait3A_95 = tpu.memref_slice %arg2[%dma_wait3A_93, %dma_wait3A_94] : memref<16384x1000xf32, #tpu.memory_space<hbm>> -> memref<128x128xf32, #tpu.memory_space<hbm>>
        tpu.wait_dma2 semaphore(%arg12 : memref<!tpu.dma_semaphore, #tpu.memory_space<semaphore_mem>>) src(%dma_wait3A_95 : memref<128x128xf32, #tpu.memory_space<hbm>>) dst(%arg7 : memref<128x128xf32, #tpu.memory_space<vmem>>)
        %dma_wait3A_96 = arith.constant 0 : i32
        %dma_wait3A_97 = arith.constant 0 : i32
        %dma_wait3A_98 = tpu.memref_slice %arg3[%dma_wait3A_96, %dma_wait3A_97] : memref<16384x16xi32, #tpu.memory_space<hbm>> -> memref<128x16xi32, #tpu.memory_space<hbm>>
        %dma_wait3A_99 = arith.constant 0 : i32
        %dma_wait3A_100 = arith.constant 0 : i32
        %dma_wait3A_101 = tpu.memref_slice %arg3[%dma_wait3A_99, %dma_wait3A_100] : memref<16384x16xi32, #tpu.memory_space<hbm>> -> memref<128x16xi32, #tpu.memory_space<hbm>>
        tpu.wait_dma2 semaphore(%arg14 : memref<!tpu.dma_semaphore, #tpu.memory_space<semaphore_mem>>) src(%dma_wait3A_101 : memref<128x16xi32, #tpu.memory_space<hbm>>) dst(%arg9 : memref<128x16xi32, #tpu.memory_space<vmem>>)
        %parallel_loop3A_102 = arith.constant 0 : i32
        %parallel_loop3A_103 = arith.constant 128 : i32
        %parallel_loop3A_104 = arith.constant 1 : i32
        scf.for %parallel_loop3A_105 = %parallel_loop3A_102 to %parallel_loop3A_103 step %parallel_loop3A_104  : i32 {
          %parallel_loop3A_106 = arith.index_cast %parallel_loop3A_105 : i32 to index
          %parallel_loop3A_107 = arith.constant 0 : index
          %parallel_loop3A_108 = tpu.vector_load %arg9[%parallel_loop3A_106, %parallel_loop3A_107] {strides = array<i32>} : memref<128x16xi32, #tpu.memory_space<vmem>>, vector<16xi32>,
          %parallel_loop3A_109 = arith.index_cast %parallel_loop3A_105 : i32 to index
          %parallel_loop3A_110 = arith.constant 0 : index
          %parallel_loop3A_111 = tpu.vector_load %arg7[%parallel_loop3A_109, %parallel_loop3A_110] {strides = array<i32>} : memref<128x128xf32, #tpu.memory_space<vmem>>, vector<16xf32>,
          %parallel_loop3A_112 = arith.constant 0 : i32
          %parallel_loop3A_113 = vector.broadcast %parallel_loop3A_112 : i32 to vector<16xi32>
          %parallel_loop3A_114 = arith.addi %iota3A, %parallel_loop3A_113 : vector<16xi32>
          tpu.vector_store_idx %arg10[%parallel_loop3A_108, %parallel_loop3A_114], %parallel_loop3A_111 {add = true} : memref<256x128xf32, #tpu.memory_space<vmem>>[vector<16xi32>, vector<16xi32>], vector<16xf32>,
          %parallel_loop3A_115 = arith.index_cast %parallel_loop3A_105 : i32 to index
          %parallel_loop3A_116 = arith.constant 16 : index
          %parallel_loop3A_117 = tpu.vector_load %arg7[%parallel_loop3A_115, %parallel_loop3A_116] {strides = array<i32>} : memref<128x128xf32, #tpu.memory_space<vmem>>, vector<16xf32>,
          %parallel_loop3A_118 = arith.constant 16 : i32
          %parallel_loop3A_119 = vector.broadcast %parallel_loop3A_118 : i32 to vector<16xi32>
          %parallel_loop3A_120 = arith.addi %iota3A, %parallel_loop3A_119 : vector<16xi32>
          tpu.vector_store_idx %arg10[%parallel_loop3A_108, %parallel_loop3A_120], %parallel_loop3A_117 {add = true} : memref<256x128xf32, #tpu.memory_space<vmem>>[vector<16xi32>, vector<16xi32>], vector<16xf32>,
          %parallel_loop3A_121 = arith.index_cast %parallel_loop3A_105 : i32 to index
          %parallel_loop3A_122 = arith.constant 32 : index
          %parallel_loop3A_123 = tpu.vector_load %arg7[%parallel_loop3A_121, %parallel_loop3A_122] {strides = array<i32>} : memref<128x128xf32, #tpu.memory_space<vmem>>, vector<16xf32>,
          %parallel_loop3A_124 = arith.constant 32 : i32
          %parallel_loop3A_125 = vector.broadcast %parallel_loop3A_124 : i32 to vector<16xi32>
          %parallel_loop3A_126 = arith.addi %iota3A, %parallel_loop3A_125 : vector<16xi32>
          tpu.vector_store_idx %arg10[%parallel_loop3A_108, %parallel_loop3A_126], %parallel_loop3A_123 {add = true} : memref<256x128xf32, #tpu.memory_space<vmem>>[vector<16xi32>, vector<16xi32>], vector<16xf32>,
          %parallel_loop3A_127 = arith.index_cast %parallel_loop3A_105 : i32 to index
          %parallel_loop3A_128 = arith.constant 48 : index
          %parallel_loop3A_129 = tpu.vector_load %arg7[%parallel_loop3A_127, %parallel_loop3A_128] {strides = array<i32>} : memref<128x128xf32, #tpu.memory_space<vmem>>, vector<16xf32>,
          %parallel_loop3A_130 = arith.constant 48 : i32
          %parallel_loop3A_131 = vector.broadcast %parallel_loop3A_130 : i32 to vector<16xi32>
          %parallel_loop3A_132 = arith.addi %iota3A, %parallel_loop3A_131 : vector<16xi32>
          tpu.vector_store_idx %arg10[%parallel_loop3A_108, %parallel_loop3A_132], %parallel_loop3A_129 {add = true} : memref<256x128xf32, #tpu.memory_space<vmem>>[vector<16xi32>, vector<16xi32>], vector<16xf32>,
          %parallel_loop3A_133 = arith.index_cast %parallel_loop3A_105 : i32 to index
          %parallel_loop3A_134 = arith.constant 64 : index
          %parallel_loop3A_135 = tpu.vector_load %arg7[%parallel_loop3A_133, %parallel_loop3A_134] {strides = array<i32>} : memref<128x128xf32, #tpu.memory_space<vmem>>, vector<16xf32>,
          %parallel_loop3A_136 = arith.constant 64 : i32
          %parallel_loop3A_137 = vector.broadcast %parallel_loop3A_136 : i32 to vector<16xi32>
          %parallel_loop3A_138 = arith.addi %iota3A, %parallel_loop3A_137 : vector<16xi32>
          tpu.vector_store_idx %arg10[%parallel_loop3A_108, %parallel_loop3A_138], %parallel_loop3A_135 {add = true} : memref<256x128xf32, #tpu.memory_space<vmem>>[vector<16xi32>, vector<16xi32>], vector<16xf32>,
          %parallel_loop3A_139 = arith.index_cast %parallel_loop3A_105 : i32 to index
          %parallel_loop3A_140 = arith.constant 80 : index
          %parallel_loop3A_141 = tpu.vector_load %arg7[%parallel_loop3A_139, %parallel_loop3A_140] {strides = array<i32>} : memref<128x128xf32, #tpu.memory_space<vmem>>, vector<16xf32>,
          %parallel_loop3A_142 = arith.constant 80 : i32
          %parallel_loop3A_143 = vector.broadcast %parallel_loop3A_142 : i32 to vector<16xi32>
          %parallel_loop3A_144 = arith.addi %iota3A, %parallel_loop3A_143 : vector<16xi32>
          tpu.vector_store_idx %arg10[%parallel_loop3A_108, %parallel_loop3A_144], %parallel_loop3A_141 {add = true} : memref<256x128xf32, #tpu.memory_space<vmem>>[vector<16xi32>, vector<16xi32>], vector<16xf32>,
          %parallel_loop3A_145 = arith.index_cast %parallel_loop3A_105 : i32 to index
          %parallel_loop3A_146 = arith.constant 96 : index
          %parallel_loop3A_147 = tpu.vector_load %arg7[%parallel_loop3A_145, %parallel_loop3A_146] {strides = array<i32>} : memref<128x128xf32, #tpu.memory_space<vmem>>, vector<16xf32>,
          %parallel_loop3A_148 = arith.constant 96 : i32
          %parallel_loop3A_149 = vector.broadcast %parallel_loop3A_148 : i32 to vector<16xi32>
          %parallel_loop3A_150 = arith.addi %iota3A, %parallel_loop3A_149 : vector<16xi32>
          tpu.vector_store_idx %arg10[%parallel_loop3A_108, %parallel_loop3A_150], %parallel_loop3A_147 {add = true} : memref<256x128xf32, #tpu.memory_space<vmem>>[vector<16xi32>, vector<16xi32>], vector<16xf32>,
          %parallel_loop3A_151 = arith.index_cast %parallel_loop3A_105 : i32 to index
          %parallel_loop3A_152 = arith.constant 112 : index
          %parallel_loop3A_153 = tpu.vector_load %arg7[%parallel_loop3A_151, %parallel_loop3A_152] {strides = array<i32>} : memref<128x128xf32, #tpu.memory_space<vmem>>, vector<16xf32>,
          %parallel_loop3A_154 = arith.constant 112 : i32
          %parallel_loop3A_155 = vector.broadcast %parallel_loop3A_154 : i32 to vector<16xi32>
          %parallel_loop3A_156 = arith.addi %iota3A, %parallel_loop3A_155 : vector<16xi32>
          tpu.vector_store_idx %arg10[%parallel_loop3A_108, %parallel_loop3A_156], %parallel_loop3A_153 {add = true} : memref<256x128xf32, #tpu.memory_space<vmem>>[vector<16xi32>, vector<16xi32>], vector<16xf32>,
        } {sc.loop_unroll_factor = 8 : i64, sc.parallel_access}
      }
      %scan3A_49 = arith.constant 2 : i32
      %mul3A_50 = arith.constant 128 : i32
      %mul3A_51 = arith.muli %select_n3A_9, %mul3A_50 : i32
      "tpu.region"() ({
        %run_scoped3A = tpu.sem_alloc : memref<!tpu.dma_semaphore, #tpu.memory_space<semaphore_mem>>
        %dma_start3A_52 = arith.constant 0 : i32
        %dma_start3A_53 = tpu.memref_slice %arg5[%select_n3A_30, %dma_start3A_52, %mul3A_51] : memref<32x256x128xf32, #tpu.memory_space<hbm>> -> memref<1x256x128xf32, #tpu.memory_space<hbm>>
        %dma_start3A_54 = tpu.memref_squeeze %dma_start3A_53 : memref<1x256x128xf32, #tpu.memory_space<hbm>> -> memref<256x128xf32, #tpu.memory_space<hbm>>
        %dma_start3A_55 = arith.constant 0 : i32
        %dma_start3A_56 = tpu.memref_slice %arg5[%select_n3A_30, %dma_start3A_55, %mul3A_51] : memref<32x256x128xf32, #tpu.memory_space<hbm>> -> memref<1x256x128xf32, #tpu.memory_space<hbm>>
        %dma_start3A_57 = tpu.memref_squeeze %dma_start3A_56 : memref<1x256x128xf32, #tpu.memory_space<hbm>> -> memref<256x128xf32, #tpu.memory_space<hbm>>
        tpu.enqueue_dma source(%arg10 : memref<256x128xf32, #tpu.memory_space<vmem>>) target(%dma_start3A_57 : memref<256x128xf32, #tpu.memory_space<hbm>>) target_semaphore(%run_scoped3A : memref<!tpu.dma_semaphore, #tpu.memory_space<semaphore_mem>>)
        %dma_wait3A = arith.constant 0 : i32
        %dma_wait3A_58 = tpu.memref_slice %arg5[%select_n3A_30, %dma_wait3A, %mul3A_51] : memref<32x256x128xf32, #tpu.memory_space<hbm>> -> memref<1x256x128xf32, #tpu.memory_space<hbm>>
        %dma_wait3A_59 = tpu.memref_squeeze %dma_wait3A_58 : memref<1x256x128xf32, #tpu.memory_space<hbm>> -> memref<256x128xf32, #tpu.memory_space<hbm>>
        %dma_wait3A_60 = arith.constant 0 : i32
        %dma_wait3A_61 = tpu.memref_slice %arg5[%select_n3A_30, %dma_wait3A_60, %mul3A_51] : memref<32x256x128xf32, #tpu.memory_space<hbm>> -> memref<1x256x128xf32, #tpu.memory_space<hbm>>
        %dma_wait3A_62 = tpu.memref_squeeze %dma_wait3A_61 : memref<1x256x128xf32, #tpu.memory_space<hbm>> -> memref<256x128xf32, #tpu.memory_space<hbm>>
        tpu.wait_dma2 semaphore(%run_scoped3A : memref<!tpu.dma_semaphore, #tpu.memory_space<semaphore_mem>>) src(%arg10 : memref<256x128xf32, #tpu.memory_space<vmem>>) dst(%dma_wait3A_62 : memref<256x128xf32, #tpu.memory_space<hbm>>)
        tpu.yield
      }) : () -> ()
    } else {
    }
    return
  }
}

module attributes {stable_mosaic.version = 14 : i64} {
  func.func @_dense_body(%arg0: i32, %arg1: memref<512x1000xf32, #tpu.memory_space<vmem>>, %arg2: memref<1x1x512xi32, #tpu.memory_space<vmem>>, %arg3: memref<1x1x512xi32, #tpu.memory_space<vmem>>, %arg4: memref<1x128xf32, #tpu.memory_space<vmem>>, %arg5: memref<1x256xf32, #tpu.memory_space<vmem>>, %arg6: memref<256x872xf32, #tpu.memory_space<vmem>>) attributes {dimension_semantics = [#tpu.dimension_semantics<arbitrary>], iteration_bounds = array<i64: 32>, scalar_prefetch = 0 : i64, scratch_operands = 0 : i64, tpu.core_type = #tpu.core_type<tc>, window_params = [{transform_indices = @transform_0, window_bounds = array<i64: 512, 1000>}, {transform_indices = @transform_1, window_bounds = array<i64: 1, 1, 512>}, {transform_indices = @transform_2, window_bounds = array<i64: 1, 1, 512>}, {pipeline_mode = #tpu.pipeline_mode<synchronous>, transform_indices = @transform_3, window_bounds = array<i64: 1, 128>}, {pipeline_mode = #tpu.pipeline_mode<synchronous>, transform_indices = @transform_4, window_bounds = array<i64: 1, 256>}, {pipeline_mode = #tpu.pipeline_mode<synchronous>, transform_indices = @transform_5, window_bounds = array<i64: 256, 872>}]} {
    %get3A = arith.constant 0 : index
    %get3A_0 = arith.constant 0 : index
    %get3A_1 = vector.load %arg1[%get3A, %get3A_0] : memref<512x1000xf32, #tpu.memory_space<vmem>>, vector<512x1000xf32>
    %reduce_max3A = arith.constant dense<0xFF800000> : vector<512xf32>
    %reduce_max3A_2 = vector.multi_reduction <maximumf>, %get3A_1, %reduce_max3A [1] : vector<512x1000xf32> to vector<512xf32>
    %broadcast_in_dim3A = vector.shape_cast %reduce_max3A_2 : vector<512xf32> to vector<512x1xf32>
    %sub3A = vector.broadcast %broadcast_in_dim3A : vector<512x1xf32> to vector<512x1000xf32>
    %sub3A_3 = arith.subf %get3A_1, %sub3A : vector<512x1000xf32>
    %exp3A = math.exp %sub3A_3 : vector<512x1000xf32>
    %reduce_sum3A = arith.constant dense<0.000000e+00> : vector<512xf32>
    %reduce_sum3A_4 = vector.multi_reduction <add>, %exp3A, %reduce_sum3A [1] : vector<512x1000xf32> to vector<512xf32>
    %broadcast_in_dim3A_5 = vector.shape_cast %reduce_sum3A_4 : vector<512xf32> to vector<512x1xf32>
    %mul3A = arith.mulf %sub3A_3, %exp3A : vector<512x1000xf32>
    %reduce_sum3A_6 = arith.constant dense<0.000000e+00> : vector<512xf32>
    %reduce_sum3A_7 = vector.multi_reduction <add>, %mul3A, %reduce_sum3A_6 [1] : vector<512x1000xf32> to vector<512xf32>
    %broadcast_in_dim3A_8 = vector.shape_cast %reduce_sum3A_7 : vector<512xf32> to vector<512x1xf32>
    %log3A = math.log %broadcast_in_dim3A_5 : vector<512x1xf32>
    %add3A = arith.addf %broadcast_in_dim3A, %log3A : vector<512x1xf32>
    %get3A_9 = arith.constant 0 : index
    %get3A_10 = arith.constant 0 : index
    %get3A_11 = arith.constant 0 : index
    %get3A_12 = vector.load %arg2[%get3A_9, %get3A_10, %get3A_11] : memref<1x1x512xi32, #tpu.memory_space<vmem>>, vector<1x1x512xi32>
    %get3A_13 = vector.shape_cast %get3A_12 : vector<1x1x512xi32> to vector<512xi32>
    %iota3A = tpu.iota {dimensions = array<i32: 1>} : vector<512x1000xi32>
    %broadcast_in_dim3A_14 = vector.shape_cast %get3A_13 : vector<512xi32> to vector<512x1xi32>
    %eq3A = vector.broadcast %broadcast_in_dim3A_14 : vector<512x1xi32> to vector<512x1000xi32>
    %eq3A_15 = arith.cmpi eq, %iota3A, %eq3A : vector<512x1000xi32>
    %jit3A = arith.constant 0.000000e+00 : f32
    %broadcast_in_dim3A_16 = vector.broadcast %jit3A : f32 to vector<512x1000xf32>
    %select_n3A = arith.select %eq3A_15, %get3A_1, %broadcast_in_dim3A_16 : vector<512x1000xi1>, vector<512x1000xf32>
    %reduce_sum3A_17 = arith.constant dense<0.000000e+00> : vector<512xf32>
    %reduce_sum3A_18 = vector.multi_reduction <add>, %select_n3A, %reduce_sum3A_17 [1] : vector<512x1000xf32> to vector<512xf32>
    %broadcast_in_dim3A_19 = vector.shape_cast %reduce_sum3A_18 : vector<512xf32> to vector<512x1xf32>
    %sub3A_20 = arith.subf %add3A, %broadcast_in_dim3A_19 : vector<512x1xf32>
    %reduce_sum3A_21 = vector.shape_cast %sub3A_20 : vector<512x1xf32> to vector<1x512x1xf32>
    %reduce_sum3A_22 = arith.constant dense<0.000000e+00> : vector<1xf32>
    %reduce_sum3A_23 = vector.multi_reduction <add>, %reduce_sum3A_21, %reduce_sum3A_22 [1, 2] : vector<1x512x1xf32> to vector<1xf32>
    %reduce_sum3A_24 = vector.shape_cast %reduce_sum3A_23 : vector<1xf32> to vector<1x1x1xf32>
    %reduce_sum3A_25 = vector.extract %reduce_sum3A_24[0, 0, 0] : f32 from vector<1x1x1xf32>
    %div3A = arith.divf %broadcast_in_dim3A_8, %broadcast_in_dim3A_5 : vector<512x1xf32>
    %sub3A_26 = arith.subf %div3A, %log3A : vector<512x1xf32>
    %reduce_sum3A_27 = vector.shape_cast %sub3A_26 : vector<512x1xf32> to vector<1x512x1xf32>
    %reduce_sum3A_28 = arith.constant dense<0.000000e+00> : vector<1xf32>
    %reduce_sum3A_29 = vector.multi_reduction <add>, %reduce_sum3A_27, %reduce_sum3A_28 [1, 2] : vector<1x512x1xf32> to vector<1xf32>
    %reduce_sum3A_30 = vector.shape_cast %reduce_sum3A_29 : vector<1xf32> to vector<1x1x1xf32>
    %reduce_sum3A_31 = vector.extract %reduce_sum3A_30[0, 0, 0] : f32 from vector<1x1x1xf32>
    %get3A_32 = arith.constant 0 : index
    %get3A_33 = arith.constant 0 : index
    %get3A_34 = arith.constant 0 : index
    %get3A_35 = vector.load %arg3[%get3A_32, %get3A_33, %get3A_34] : memref<1x1x512xi32, #tpu.memory_space<vmem>>, vector<1x1x512xi32>
    %get3A_36 = vector.shape_cast %get3A_35 : vector<1x1x512xi32> to vector<512xi32>
    %iota3A_37 = tpu.iota {dimensions = array<i32: 1>} : vector<512x256xi32>
    %broadcast_in_dim3A_38 = vector.shape_cast %get3A_36 : vector<512xi32> to vector<512x1xi32>
    %eq3A_39 = vector.broadcast %broadcast_in_dim3A_38 : vector<512x1xi32> to vector<512x256xi32>
    %eq3A_40 = arith.cmpi eq, %iota3A_37, %eq3A_39 : vector<512x256xi32>
    %convert_element_type3A = arith.extui %eq3A_40 : vector<512x256xi1> to vector<512x256xi32>
    %convert_element_type3A_41 = arith.sitofp %convert_element_type3A : vector<512x256xi32> to vector<512x256xf32>
    %mul3A_42 = vector.broadcast %add3A : vector<512x1xf32> to vector<512x256xf32>
    %mul3A_43 = arith.mulf %convert_element_type3A_41, %mul3A_42 : vector<512x256xf32>
    %reduce_sum3A_44 = arith.constant dense<0.000000e+00> : vector<256xf32>
    %reduce_sum3A_45 = vector.multi_reduction <add>, %mul3A_43, %reduce_sum3A_44 [0] : vector<512x256xf32> to vector<256xf32>
    %broadcast_in_dim3A_46 = vector.shape_cast %reduce_sum3A_45 : vector<256xf32> to vector<1x256xf32>
    %slice3A = vector.extract_strided_slice %get3A_1 {offsets = [0, 128], sizes = [512, 872], strides = [1, 1]} : vector<512x1000xf32> to vector<512x872xf32>
    %convert_element_type3A_47 = arith.truncf %slice3A : vector<512x872xf32> to vector<512x872xbf16>
    %convert_element_type3A_48 = arith.truncf %convert_element_type3A_41 : vector<512x256xf32> to vector<512x256xbf16>
    %dot_general3A = arith.constant dense<0.000000e+00> : vector<256x872xf32>
    %dot_general3A_49 = tpu.matmul %convert_element_type3A_48, %convert_element_type3A_47, %dot_general3A {dimension_numbers = #tpu.dot_dimension_numbers<[0], [0], [1], [1], [0, 1, 1, 1], [], []>, transpose_lhs_hint = false} : vector<512x256xbf16>, vector<512x872xbf16>, vector<256x872xf32> -> vector<256x872xf32>
    %iota3A_50 = tpu.iota {dimensions = array<i32: 1>} : vector<1x128xi32>
    %eq3A_51 = arith.constant 0 : i32
    %eq3A_52 = vector.broadcast %eq3A_51 : i32 to vector<1x128xi32>
    %eq3A_53 = arith.cmpi eq, %iota3A_50, %eq3A_52 : vector<1x128xi32>
    %jit3A_54 = arith.constant 0.000000e+00 : f32
    %broadcast_in_dim3A_55 = vector.broadcast %reduce_sum3A_25 : f32 to vector<1x128xf32>
    %broadcast_in_dim3A_56 = vector.broadcast %jit3A_54 : f32 to vector<1x128xf32>
    %select_n3A_57 = arith.select %eq3A_53, %broadcast_in_dim3A_55, %broadcast_in_dim3A_56 : vector<1x128xi1>, vector<1x128xf32>
    %eq3A_58 = arith.constant 1 : i32
    %eq3A_59 = vector.broadcast %eq3A_58 : i32 to vector<1x128xi32>
    %eq3A_60 = arith.cmpi eq, %iota3A_50, %eq3A_59 : vector<1x128xi32>
    %jit3A_61 = arith.constant 0.000000e+00 : f32
    %broadcast_in_dim3A_62 = vector.broadcast %reduce_sum3A_31 : f32 to vector<1x128xf32>
    %broadcast_in_dim3A_63 = vector.broadcast %jit3A_61 : f32 to vector<1x128xf32>
    %select_n3A_64 = arith.select %eq3A_60, %broadcast_in_dim3A_62, %broadcast_in_dim3A_63 : vector<1x128xi1>, vector<1x128xf32>
    %add3A_65 = arith.addf %select_n3A_57, %select_n3A_64 : vector<1x128xf32>
    %eq3A_66 = arith.constant 0 : i32
    %eq3A_67 = arith.cmpi eq, %arg0, %eq3A_66 : i32
    %convert_element_type3A_68 = arith.extui %eq3A_67 : i1 to i32
    %cond3A = arith.constant 0 : i32
    %cond3A_69 = arith.cmpi ne, %convert_element_type3A_68, %cond3A : i32
    scf.if %cond3A_69 {
      %swap3A = arith.constant 0 : index
      %swap3A_74 = arith.constant 0 : index
      %swap3A_75 = vector.load %arg4[%swap3A, %swap3A_74] : memref<1x128xf32, #tpu.memory_space<vmem>>, vector<1x128xf32>
      tpu.vector_store %arg4[%swap3A, %swap3A_74], %add3A_65 {strides = array<i32>} : memref<1x128xf32, #tpu.memory_space<vmem>>, vector<1x128xf32>,
      %swap3A_76 = arith.constant 0 : index
      %swap3A_77 = arith.constant 0 : index
      %swap3A_78 = vector.load %arg5[%swap3A_76, %swap3A_77] : memref<1x256xf32, #tpu.memory_space<vmem>>, vector<1x256xf32>
      tpu.vector_store %arg5[%swap3A_76, %swap3A_77], %broadcast_in_dim3A_46 {strides = array<i32>} : memref<1x256xf32, #tpu.memory_space<vmem>>, vector<1x256xf32>,
      %swap3A_79 = arith.constant 0 : index
      %swap3A_80 = arith.constant 0 : index
      %swap3A_81 = vector.load %arg6[%swap3A_79, %swap3A_80] : memref<256x872xf32, #tpu.memory_space<vmem>>, vector<256x872xf32>
      tpu.vector_store %arg6[%swap3A_79, %swap3A_80], %dot_general3A_49 {strides = array<i32>} : memref<256x872xf32, #tpu.memory_space<vmem>>, vector<256x872xf32>,
    } else {
    }
    %gt3A = arith.constant 0 : i32
    %gt3A_70 = arith.cmpi sgt, %arg0, %gt3A : i32
    %convert_element_type3A_71 = arith.extui %gt3A_70 : i1 to i32
    %cond3A_72 = arith.constant 0 : i32
    %cond3A_73 = arith.cmpi ne, %convert_element_type3A_71, %cond3A_72 : i32
    scf.if %cond3A_73 {
      %get3A_74 = arith.constant 0 : index
      %get3A_75 = arith.constant 0 : index
      %get3A_76 = vector.load %arg4[%get3A_74, %get3A_75] : memref<1x128xf32, #tpu.memory_space<vmem>>, vector<1x128xf32>
      %add3A_77 = arith.addf %get3A_76, %add3A_65 : vector<1x128xf32>
      %swap3A = arith.constant 0 : index
      %swap3A_78 = arith.constant 0 : index
      %swap3A_79 = vector.load %arg4[%swap3A, %swap3A_78] : memref<1x128xf32, #tpu.memory_space<vmem>>, vector<1x128xf32>
      tpu.vector_store %arg4[%swap3A, %swap3A_78], %add3A_77 {strides = array<i32>} : memref<1x128xf32, #tpu.memory_space<vmem>>, vector<1x128xf32>,
      %get3A_80 = arith.constant 0 : index
      %get3A_81 = arith.constant 0 : index
      %get3A_82 = vector.load %arg5[%get3A_80, %get3A_81] : memref<1x256xf32, #tpu.memory_space<vmem>>, vector<1x256xf32>
      %add3A_83 = arith.addf %get3A_82, %broadcast_in_dim3A_46 : vector<1x256xf32>
      %swap3A_84 = arith.constant 0 : index
      %swap3A_85 = arith.constant 0 : index
      %swap3A_86 = vector.load %arg5[%swap3A_84, %swap3A_85] : memref<1x256xf32, #tpu.memory_space<vmem>>, vector<1x256xf32>
      tpu.vector_store %arg5[%swap3A_84, %swap3A_85], %add3A_83 {strides = array<i32>} : memref<1x256xf32, #tpu.memory_space<vmem>>, vector<1x256xf32>,
      %get3A_87 = arith.constant 0 : index
      %get3A_88 = arith.constant 0 : index
      %get3A_89 = vector.load %arg6[%get3A_87, %get3A_88] : memref<256x872xf32, #tpu.memory_space<vmem>>, vector<256x872xf32>
      %add3A_90 = arith.addf %get3A_89, %dot_general3A_49 : vector<256x872xf32>
      %swap3A_91 = arith.constant 0 : index
      %swap3A_92 = arith.constant 0 : index
      %swap3A_93 = vector.load %arg6[%swap3A_91, %swap3A_92] : memref<256x872xf32, #tpu.memory_space<vmem>>, vector<256x872xf32>
      tpu.vector_store %arg6[%swap3A_91, %swap3A_92], %add3A_90 {strides = array<i32>} : memref<256x872xf32, #tpu.memory_space<vmem>>, vector<256x872xf32>,
    } else {
    }
    return
  }
  func.func @transform_0(%arg0: i32) -> (i32, i32) {
    %c0_i32 = arith.constant 0 : i32
    %c0_i32_0 = arith.constant 0 : i32
    return %arg0, %c0_i32 : i32, i32
  }
  func.func @transform_1(%arg0: i32) -> (i32, i32, i32) {
    %c0_i32 = arith.constant 0 : i32
    %c0_i32_0 = arith.constant 0 : i32
    %c0_i32_1 = arith.constant 0 : i32
    return %arg0, %c0_i32, %c0_i32_0 : i32, i32, i32
  }
  func.func @transform_2(%arg0: i32) -> (i32, i32, i32) {
    %c0_i32 = arith.constant 0 : i32
    %c0_i32_0 = arith.constant 0 : i32
    %c0_i32_1 = arith.constant 0 : i32
    return %arg0, %c0_i32, %c0_i32_0 : i32, i32, i32
  }
  func.func @transform_3(%arg0: i32) -> (i32, i32) {
    %c0_i32 = arith.constant 0 : i32
    %c0_i32_0 = arith.constant 0 : i32
    %c0_i32_1 = arith.constant 0 : i32
    return %c0_i32, %c0_i32_0 : i32, i32
  }
  func.func @transform_4(%arg0: i32) -> (i32, i32) {
    %c0_i32 = arith.constant 0 : i32
    %c0_i32_0 = arith.constant 0 : i32
    %c0_i32_1 = arith.constant 0 : i32
    return %c0_i32, %c0_i32_0 : i32, i32
  }
  func.func @transform_5(%arg0: i32) -> (i32, i32) {
    %c0_i32 = arith.constant 0 : i32
    %c0_i32_0 = arith.constant 0 : i32
    %c0_i32_1 = arith.constant 0 : i32
    return %c0_i32, %c0_i32_0 : i32, i32
  }
}

module attributes {stable_mosaic.version = 14 : i64} {
  func.func @_combine_body(%arg0: memref<32x256x128xf32, #tpu.memory_space<vmem>>, %arg1: memref<256x872xf32, #tpu.memory_space<vmem>>, %arg2: memref<256x1000xf32, #tpu.memory_space<vmem>>, %arg3: memref<1x256xf32, #tpu.memory_space<vmem>>, %arg4: memref<1x128xf32, #tpu.memory_space<vmem>>, %arg5: memref<1x2xf32, #tpu.memory_space<vmem>>) attributes {dimension_semantics = [], scalar_prefetch = 0 : i64, scratch_operands = 0 : i64, tpu.core_type = #tpu.core_type<tc>} {
    %get3A = arith.constant 0 : index
    %get3A_0 = arith.constant 0 : index
    %get3A_1 = arith.constant 0 : index
    %get3A_2 = vector.load %arg0[%get3A, %get3A_0, %get3A_1] : memref<32x256x128xf32, #tpu.memory_space<vmem>>, vector<1x256x128xf32>
    %get3A_3 = vector.shape_cast %get3A_2 : vector<1x256x128xf32> to vector<256x128xf32>
    %get3A_4 = arith.constant 1 : index
    %get3A_5 = arith.constant 0 : index
    %get3A_6 = arith.constant 0 : index
    %get3A_7 = vector.load %arg0[%get3A_4, %get3A_5, %get3A_6] : memref<32x256x128xf32, #tpu.memory_space<vmem>>, vector<1x256x128xf32>
    %get3A_8 = vector.shape_cast %get3A_7 : vector<1x256x128xf32> to vector<256x128xf32>
    %add3A = arith.addf %get3A_3, %get3A_8 : vector<256x128xf32>
    %get3A_9 = arith.constant 2 : index
    %get3A_10 = arith.constant 0 : index
    %get3A_11 = arith.constant 0 : index
    %get3A_12 = vector.load %arg0[%get3A_9, %get3A_10, %get3A_11] : memref<32x256x128xf32, #tpu.memory_space<vmem>>, vector<1x256x128xf32>
    %get3A_13 = vector.shape_cast %get3A_12 : vector<1x256x128xf32> to vector<256x128xf32>
    %add3A_14 = arith.addf %add3A, %get3A_13 : vector<256x128xf32>
    %get3A_15 = arith.constant 3 : index
    %get3A_16 = arith.constant 0 : index
    %get3A_17 = arith.constant 0 : index
    %get3A_18 = vector.load %arg0[%get3A_15, %get3A_16, %get3A_17] : memref<32x256x128xf32, #tpu.memory_space<vmem>>, vector<1x256x128xf32>
    %get3A_19 = vector.shape_cast %get3A_18 : vector<1x256x128xf32> to vector<256x128xf32>
    %add3A_20 = arith.addf %add3A_14, %get3A_19 : vector<256x128xf32>
    %get3A_21 = arith.constant 4 : index
    %get3A_22 = arith.constant 0 : index
    %get3A_23 = arith.constant 0 : index
    %get3A_24 = vector.load %arg0[%get3A_21, %get3A_22, %get3A_23] : memref<32x256x128xf32, #tpu.memory_space<vmem>>, vector<1x256x128xf32>
    %get3A_25 = vector.shape_cast %get3A_24 : vector<1x256x128xf32> to vector<256x128xf32>
    %add3A_26 = arith.addf %add3A_20, %get3A_25 : vector<256x128xf32>
    %get3A_27 = arith.constant 5 : index
    %get3A_28 = arith.constant 0 : index
    %get3A_29 = arith.constant 0 : index
    %get3A_30 = vector.load %arg0[%get3A_27, %get3A_28, %get3A_29] : memref<32x256x128xf32, #tpu.memory_space<vmem>>, vector<1x256x128xf32>
    %get3A_31 = vector.shape_cast %get3A_30 : vector<1x256x128xf32> to vector<256x128xf32>
    %add3A_32 = arith.addf %add3A_26, %get3A_31 : vector<256x128xf32>
    %get3A_33 = arith.constant 6 : index
    %get3A_34 = arith.constant 0 : index
    %get3A_35 = arith.constant 0 : index
    %get3A_36 = vector.load %arg0[%get3A_33, %get3A_34, %get3A_35] : memref<32x256x128xf32, #tpu.memory_space<vmem>>, vector<1x256x128xf32>
    %get3A_37 = vector.shape_cast %get3A_36 : vector<1x256x128xf32> to vector<256x128xf32>
    %add3A_38 = arith.addf %add3A_32, %get3A_37 : vector<256x128xf32>
    %get3A_39 = arith.constant 7 : index
    %get3A_40 = arith.constant 0 : index
    %get3A_41 = arith.constant 0 : index
    %get3A_42 = vector.load %arg0[%get3A_39, %get3A_40, %get3A_41] : memref<32x256x128xf32, #tpu.memory_space<vmem>>, vector<1x256x128xf32>
    %get3A_43 = vector.shape_cast %get3A_42 : vector<1x256x128xf32> to vector<256x128xf32>
    %add3A_44 = arith.addf %add3A_38, %get3A_43 : vector<256x128xf32>
    %get3A_45 = arith.constant 8 : index
    %get3A_46 = arith.constant 0 : index
    %get3A_47 = arith.constant 0 : index
    %get3A_48 = vector.load %arg0[%get3A_45, %get3A_46, %get3A_47] : memref<32x256x128xf32, #tpu.memory_space<vmem>>, vector<1x256x128xf32>
    %get3A_49 = vector.shape_cast %get3A_48 : vector<1x256x128xf32> to vector<256x128xf32>
    %add3A_50 = arith.addf %add3A_44, %get3A_49 : vector<256x128xf32>
    %get3A_51 = arith.constant 9 : index
    %get3A_52 = arith.constant 0 : index
    %get3A_53 = arith.constant 0 : index
    %get3A_54 = vector.load %arg0[%get3A_51, %get3A_52, %get3A_53] : memref<32x256x128xf32, #tpu.memory_space<vmem>>, vector<1x256x128xf32>
    %get3A_55 = vector.shape_cast %get3A_54 : vector<1x256x128xf32> to vector<256x128xf32>
    %add3A_56 = arith.addf %add3A_50, %get3A_55 : vector<256x128xf32>
    %get3A_57 = arith.constant 10 : index
    %get3A_58 = arith.constant 0 : index
    %get3A_59 = arith.constant 0 : index
    %get3A_60 = vector.load %arg0[%get3A_57, %get3A_58, %get3A_59] : memref<32x256x128xf32, #tpu.memory_space<vmem>>, vector<1x256x128xf32>
    %get3A_61 = vector.shape_cast %get3A_60 : vector<1x256x128xf32> to vector<256x128xf32>
    %add3A_62 = arith.addf %add3A_56, %get3A_61 : vector<256x128xf32>
    %get3A_63 = arith.constant 11 : index
    %get3A_64 = arith.constant 0 : index
    %get3A_65 = arith.constant 0 : index
    %get3A_66 = vector.load %arg0[%get3A_63, %get3A_64, %get3A_65] : memref<32x256x128xf32, #tpu.memory_space<vmem>>, vector<1x256x128xf32>
    %get3A_67 = vector.shape_cast %get3A_66 : vector<1x256x128xf32> to vector<256x128xf32>
    %add3A_68 = arith.addf %add3A_62, %get3A_67 : vector<256x128xf32>
    %get3A_69 = arith.constant 12 : index
    %get3A_70 = arith.constant 0 : index
    %get3A_71 = arith.constant 0 : index
    %get3A_72 = vector.load %arg0[%get3A_69, %get3A_70, %get3A_71] : memref<32x256x128xf32, #tpu.memory_space<vmem>>, vector<1x256x128xf32>
    %get3A_73 = vector.shape_cast %get3A_72 : vector<1x256x128xf32> to vector<256x128xf32>
    %add3A_74 = arith.addf %add3A_68, %get3A_73 : vector<256x128xf32>
    %get3A_75 = arith.constant 13 : index
    %get3A_76 = arith.constant 0 : index
    %get3A_77 = arith.constant 0 : index
    %get3A_78 = vector.load %arg0[%get3A_75, %get3A_76, %get3A_77] : memref<32x256x128xf32, #tpu.memory_space<vmem>>, vector<1x256x128xf32>
    %get3A_79 = vector.shape_cast %get3A_78 : vector<1x256x128xf32> to vector<256x128xf32>
    %add3A_80 = arith.addf %add3A_74, %get3A_79 : vector<256x128xf32>
    %get3A_81 = arith.constant 14 : index
    %get3A_82 = arith.constant 0 : index
    %get3A_83 = arith.constant 0 : index
    %get3A_84 = vector.load %arg0[%get3A_81, %get3A_82, %get3A_83] : memref<32x256x128xf32, #tpu.memory_space<vmem>>, vector<1x256x128xf32>
    %get3A_85 = vector.shape_cast %get3A_84 : vector<1x256x128xf32> to vector<256x128xf32>
    %add3A_86 = arith.addf %add3A_80, %get3A_85 : vector<256x128xf32>
    %get3A_87 = arith.constant 15 : index
    %get3A_88 = arith.constant 0 : index
    %get3A_89 = arith.constant 0 : index
    %get3A_90 = vector.load %arg0[%get3A_87, %get3A_88, %get3A_89] : memref<32x256x128xf32, #tpu.memory_space<vmem>>, vector<1x256x128xf32>
    %get3A_91 = vector.shape_cast %get3A_90 : vector<1x256x128xf32> to vector<256x128xf32>
    %add3A_92 = arith.addf %add3A_86, %get3A_91 : vector<256x128xf32>
    %get3A_93 = arith.constant 16 : index
    %get3A_94 = arith.constant 0 : index
    %get3A_95 = arith.constant 0 : index
    %get3A_96 = vector.load %arg0[%get3A_93, %get3A_94, %get3A_95] : memref<32x256x128xf32, #tpu.memory_space<vmem>>, vector<1x256x128xf32>
    %get3A_97 = vector.shape_cast %get3A_96 : vector<1x256x128xf32> to vector<256x128xf32>
    %add3A_98 = arith.addf %add3A_92, %get3A_97 : vector<256x128xf32>
    %get3A_99 = arith.constant 17 : index
    %get3A_100 = arith.constant 0 : index
    %get3A_101 = arith.constant 0 : index
    %get3A_102 = vector.load %arg0[%get3A_99, %get3A_100, %get3A_101] : memref<32x256x128xf32, #tpu.memory_space<vmem>>, vector<1x256x128xf32>
    %get3A_103 = vector.shape_cast %get3A_102 : vector<1x256x128xf32> to vector<256x128xf32>
    %add3A_104 = arith.addf %add3A_98, %get3A_103 : vector<256x128xf32>
    %get3A_105 = arith.constant 18 : index
    %get3A_106 = arith.constant 0 : index
    %get3A_107 = arith.constant 0 : index
    %get3A_108 = vector.load %arg0[%get3A_105, %get3A_106, %get3A_107] : memref<32x256x128xf32, #tpu.memory_space<vmem>>, vector<1x256x128xf32>
    %get3A_109 = vector.shape_cast %get3A_108 : vector<1x256x128xf32> to vector<256x128xf32>
    %add3A_110 = arith.addf %add3A_104, %get3A_109 : vector<256x128xf32>
    %get3A_111 = arith.constant 19 : index
    %get3A_112 = arith.constant 0 : index
    %get3A_113 = arith.constant 0 : index
    %get3A_114 = vector.load %arg0[%get3A_111, %get3A_112, %get3A_113] : memref<32x256x128xf32, #tpu.memory_space<vmem>>, vector<1x256x128xf32>
    %get3A_115 = vector.shape_cast %get3A_114 : vector<1x256x128xf32> to vector<256x128xf32>
    %add3A_116 = arith.addf %add3A_110, %get3A_115 : vector<256x128xf32>
    %get3A_117 = arith.constant 20 : index
    %get3A_118 = arith.constant 0 : index
    %get3A_119 = arith.constant 0 : index
    %get3A_120 = vector.load %arg0[%get3A_117, %get3A_118, %get3A_119] : memref<32x256x128xf32, #tpu.memory_space<vmem>>, vector<1x256x128xf32>
    %get3A_121 = vector.shape_cast %get3A_120 : vector<1x256x128xf32> to vector<256x128xf32>
    %add3A_122 = arith.addf %add3A_116, %get3A_121 : vector<256x128xf32>
    %get3A_123 = arith.constant 21 : index
    %get3A_124 = arith.constant 0 : index
    %get3A_125 = arith.constant 0 : index
    %get3A_126 = vector.load %arg0[%get3A_123, %get3A_124, %get3A_125] : memref<32x256x128xf32, #tpu.memory_space<vmem>>, vector<1x256x128xf32>
    %get3A_127 = vector.shape_cast %get3A_126 : vector<1x256x128xf32> to vector<256x128xf32>
    %add3A_128 = arith.addf %add3A_122, %get3A_127 : vector<256x128xf32>
    %get3A_129 = arith.constant 22 : index
    %get3A_130 = arith.constant 0 : index
    %get3A_131 = arith.constant 0 : index
    %get3A_132 = vector.load %arg0[%get3A_129, %get3A_130, %get3A_131] : memref<32x256x128xf32, #tpu.memory_space<vmem>>, vector<1x256x128xf32>
    %get3A_133 = vector.shape_cast %get3A_132 : vector<1x256x128xf32> to vector<256x128xf32>
    %add3A_134 = arith.addf %add3A_128, %get3A_133 : vector<256x128xf32>
    %get3A_135 = arith.constant 23 : index
    %get3A_136 = arith.constant 0 : index
    %get3A_137 = arith.constant 0 : index
    %get3A_138 = vector.load %arg0[%get3A_135, %get3A_136, %get3A_137] : memref<32x256x128xf32, #tpu.memory_space<vmem>>, vector<1x256x128xf32>
    %get3A_139 = vector.shape_cast %get3A_138 : vector<1x256x128xf32> to vector<256x128xf32>
    %add3A_140 = arith.addf %add3A_134, %get3A_139 : vector<256x128xf32>
    %get3A_141 = arith.constant 24 : index
    %get3A_142 = arith.constant 0 : index
    %get3A_143 = arith.constant 0 : index
    %get3A_144 = vector.load %arg0[%get3A_141, %get3A_142, %get3A_143] : memref<32x256x128xf32, #tpu.memory_space<vmem>>, vector<1x256x128xf32>
    %get3A_145 = vector.shape_cast %get3A_144 : vector<1x256x128xf32> to vector<256x128xf32>
    %add3A_146 = arith.addf %add3A_140, %get3A_145 : vector<256x128xf32>
    %get3A_147 = arith.constant 25 : index
    %get3A_148 = arith.constant 0 : index
    %get3A_149 = arith.constant 0 : index
    %get3A_150 = vector.load %arg0[%get3A_147, %get3A_148, %get3A_149] : memref<32x256x128xf32, #tpu.memory_space<vmem>>, vector<1x256x128xf32>
    %get3A_151 = vector.shape_cast %get3A_150 : vector<1x256x128xf32> to vector<256x128xf32>
    %add3A_152 = arith.addf %add3A_146, %get3A_151 : vector<256x128xf32>
    %get3A_153 = arith.constant 26 : index
    %get3A_154 = arith.constant 0 : index
    %get3A_155 = arith.constant 0 : index
    %get3A_156 = vector.load %arg0[%get3A_153, %get3A_154, %get3A_155] : memref<32x256x128xf32, #tpu.memory_space<vmem>>, vector<1x256x128xf32>
    %get3A_157 = vector.shape_cast %get3A_156 : vector<1x256x128xf32> to vector<256x128xf32>
    %add3A_158 = arith.addf %add3A_152, %get3A_157 : vector<256x128xf32>
    %get3A_159 = arith.constant 27 : index
    %get3A_160 = arith.constant 0 : index
    %get3A_161 = arith.constant 0 : index
    %get3A_162 = vector.load %arg0[%get3A_159, %get3A_160, %get3A_161] : memref<32x256x128xf32, #tpu.memory_space<vmem>>, vector<1x256x128xf32>
    %get3A_163 = vector.shape_cast %get3A_162 : vector<1x256x128xf32> to vector<256x128xf32>
    %add3A_164 = arith.addf %add3A_158, %get3A_163 : vector<256x128xf32>
    %get3A_165 = arith.constant 28 : index
    %get3A_166 = arith.constant 0 : index
    %get3A_167 = arith.constant 0 : index
    %get3A_168 = vector.load %arg0[%get3A_165, %get3A_166, %get3A_167] : memref<32x256x128xf32, #tpu.memory_space<vmem>>, vector<1x256x128xf32>
    %get3A_169 = vector.shape_cast %get3A_168 : vector<1x256x128xf32> to vector<256x128xf32>
    %add3A_170 = arith.addf %add3A_164, %get3A_169 : vector<256x128xf32>
    %get3A_171 = arith.constant 29 : index
    %get3A_172 = arith.constant 0 : index
    %get3A_173 = arith.constant 0 : index
    %get3A_174 = vector.load %arg0[%get3A_171, %get3A_172, %get3A_173] : memref<32x256x128xf32, #tpu.memory_space<vmem>>, vector<1x256x128xf32>
    %get3A_175 = vector.shape_cast %get3A_174 : vector<1x256x128xf32> to vector<256x128xf32>
    %add3A_176 = arith.addf %add3A_170, %get3A_175 : vector<256x128xf32>
    %get3A_177 = arith.constant 30 : index
    %get3A_178 = arith.constant 0 : index
    %get3A_179 = arith.constant 0 : index
    %get3A_180 = vector.load %arg0[%get3A_177, %get3A_178, %get3A_179] : memref<32x256x128xf32, #tpu.memory_space<vmem>>, vector<1x256x128xf32>
    %get3A_181 = vector.shape_cast %get3A_180 : vector<1x256x128xf32> to vector<256x128xf32>
    %add3A_182 = arith.addf %add3A_176, %get3A_181 : vector<256x128xf32>
    %get3A_183 = arith.constant 31 : index
    %get3A_184 = arith.constant 0 : index
    %get3A_185 = arith.constant 0 : index
    %get3A_186 = vector.load %arg0[%get3A_183, %get3A_184, %get3A_185] : memref<32x256x128xf32, #tpu.memory_space<vmem>>, vector<1x256x128xf32>
    %get3A_187 = vector.shape_cast %get3A_186 : vector<1x256x128xf32> to vector<256x128xf32>
    %add3A_188 = arith.addf %add3A_182, %get3A_187 : vector<256x128xf32>
    %get3A_189 = arith.constant 0 : index
    %get3A_190 = arith.constant 0 : index
    %get3A_191 = vector.load %arg2[%get3A_189, %get3A_190] : memref<256x1000xf32, #tpu.memory_space<vmem>>, vector<256x1000xf32>
    %slice3A = vector.extract_strided_slice %get3A_191 {offsets = [0, 0], sizes = [256, 128], strides = [1, 1]} : vector<256x1000xf32> to vector<256x128xf32>
    %mul3A = arith.mulf %slice3A, %add3A_188 : vector<256x128xf32>
    %reduce_sum3A = vector.shape_cast %mul3A : vector<256x128xf32> to vector<1x256x128xf32>
    %reduce_sum3A_192 = arith.constant dense<0.000000e+00> : vector<1xf32>
    %reduce_sum3A_193 = vector.multi_reduction <add>, %reduce_sum3A, %reduce_sum3A_192 [1, 2] : vector<1x256x128xf32> to vector<1xf32>
    %reduce_sum3A_194 = vector.shape_cast %reduce_sum3A_193 : vector<1xf32> to vector<1x1x1xf32>
    %reduce_sum3A_195 = vector.extract %reduce_sum3A_194[0, 0, 0] : f32 from vector<1x1x1xf32>
    %slice3A_196 = vector.extract_strided_slice %get3A_191 {offsets = [0, 128], sizes = [256, 872], strides = [1, 1]} : vector<256x1000xf32> to vector<256x872xf32>
    %get3A_197 = arith.constant 0 : index
    %get3A_198 = arith.constant 0 : index
    %get3A_199 = vector.load %arg1[%get3A_197, %get3A_198] : memref<256x872xf32, #tpu.memory_space<vmem>>, vector<256x872xf32>
    %mul3A_200 = arith.mulf %slice3A_196, %get3A_199 : vector<256x872xf32>
    %reduce_sum3A_201 = vector.shape_cast %mul3A_200 : vector<256x872xf32> to vector<1x256x872xf32>
    %reduce_sum3A_202 = arith.constant dense<0.000000e+00> : vector<1xf32>
    %reduce_sum3A_203 = vector.multi_reduction <add>, %reduce_sum3A_201, %reduce_sum3A_202 [1, 2] : vector<1x256x872xf32> to vector<1xf32>
    %reduce_sum3A_204 = vector.shape_cast %reduce_sum3A_203 : vector<1xf32> to vector<1x1x1xf32>
    %reduce_sum3A_205 = vector.extract %reduce_sum3A_204[0, 0, 0] : f32 from vector<1x1x1xf32>
    %add3A_206 = arith.addf %reduce_sum3A_195, %reduce_sum3A_205 : f32
    %reduce_sum3A_207 = arith.constant dense<0.000000e+00> : vector<256xf32>
    %reduce_sum3A_208 = vector.multi_reduction <add>, %get3A_191, %reduce_sum3A_207 [1] : vector<256x1000xf32> to vector<256xf32>
    %broadcast_in_dim3A = vector.shape_cast %reduce_sum3A_208 : vector<256xf32> to vector<256x1xf32>
    %get3A_209 = arith.constant 0 : index
    %get3A_210 = arith.constant 0 : index
    %get3A_211 = vector.load %arg3[%get3A_209, %get3A_210] : memref<1x256xf32, #tpu.memory_space<vmem>>, vector<1x256xf32>
    %dot_general3A = arith.constant dense<0.000000e+00> : vector<1x1xf32>
    %dot_general3A_212 = tpu.matmul %get3A_211, %broadcast_in_dim3A, %dot_general3A {dimension_numbers = #tpu.dot_dimension_numbers<[1], [0], [0], [1], [0, 0, 1, 1], [], []>, transpose_lhs_hint = false} : vector<1x256xf32>, vector<256x1xf32>, vector<1x1xf32> -> vector<1x1xf32>
    %squeeze3A = vector.extract %dot_general3A_212[0, 0] : f32 from vector<1x1xf32>
    %get3A_213 = arith.constant 0 : index
    %get3A_214 = arith.constant 0 : index
    %get3A_215 = vector.load %arg4[%get3A_213, %get3A_214] : memref<1x128xf32, #tpu.memory_space<vmem>>, vector<1x1xf32>
    %get3A_216 = vector.extract %get3A_215[0, 0] : f32 from vector<1x1xf32>
    %get3A_217 = arith.constant 0 : index
    %get3A_218 = arith.constant 1 : index
    %get3A_219 = vector.load %arg4[%get3A_217, %get3A_218] : memref<1x128xf32, #tpu.memory_space<vmem>>, vector<1x1xf32>
    %get3A_220 = vector.extract %get3A_219[0, 0] : f32 from vector<1x1xf32>
    %div3A = arith.constant 1.638400e+04 : f32
    %div3A_221 = arith.divf %get3A_216, %div3A : f32
    %sub3A = arith.subf %add3A_206, %squeeze3A : f32
    %mul3A_222 = arith.constant 0.899999976 : f32
    %mul3A_223 = arith.mulf %mul3A_222, %sub3A : f32
    %mul3A_224 = arith.constant 1.000000e-01 : f32
    %mul3A_225 = arith.mulf %mul3A_224, %get3A_220 : f32
    %add3A_226 = arith.addf %mul3A_223, %mul3A_225 : f32
    %neg3A = arith.constant 0.000000e+00 : f32
    %neg3A_227 = arith.subf %neg3A, %add3A_226 : f32
    %div3A_228 = arith.constant 1.638400e+04 : f32
    %div3A_229 = arith.divf %neg3A_227, %div3A_228 : f32
    %iota3A = tpu.iota {dimensions = array<i32: 1>} : vector<1x2xi32>
    %eq3A = arith.constant 0 : i32
    %eq3A_230 = vector.broadcast %eq3A : i32 to vector<1x2xi32>
    %eq3A_231 = arith.cmpi eq, %iota3A, %eq3A_230 : vector<1x2xi32>
    %broadcast_in_dim3A_232 = vector.broadcast %div3A_221 : f32 to vector<1x2xf32>
    %broadcast_in_dim3A_233 = vector.broadcast %div3A_229 : f32 to vector<1x2xf32>
    %select_n3A = arith.select %eq3A_231, %broadcast_in_dim3A_232, %broadcast_in_dim3A_233 : vector<1x2xi1>, vector<1x2xf32>
    %swap3A = arith.constant 0 : index
    %swap3A_234 = arith.constant 0 : index
    %swap3A_235 = vector.load %arg5[%swap3A, %swap3A_234] : memref<1x2xf32, #tpu.memory_space<vmem>>, vector<1x2xf32>
    tpu.vector_store %arg5[%swap3A, %swap3A_234], %select_n3A {strides = array<i32>} : memref<1x2xf32, #tpu.memory_space<vmem>>, vector<1x2xf32>,
    return
  }
}

</mosaic_0001>

<sc_bundles>
// kernel: kernel.5.cloned.1.call-start
scs
__scs_entry_jumppad:
0x0: {  	(pc) =	sbr.rel $0x88, $3  }
0x1: {  	(tag) =	ssettag $0x0;
	lr =	simm.s32 $0x1  }
0x2: {  	[smem:$0x3F9C] =	sst lr;
	_ =	strace $0xD0000000  }
0x3: {  	_ = 	snop  }
0x4: {  	_ = 	snop  }
0x5: {  	_ = 	snop  }
0x6: {  	_ = 	snop  }
0x7: {  	_ = 	snop  }
__scs_overlays_trampoline_lowered:
0x8: {  	[smem:$0x3FAB] =	sst s0  }
0x9: {  	[smem:$0x3FAC] =	sst s1  }
0xa: {  	[smem:$0x3FAD] =	sst s2  }
0xb: {  	[smem:$0x3FAE] =	sst s3  }
0xc: {  	[smem:$0x3FAF] =	sst s4  }
0xd: {  	[smem:$0x3FB0] =	sst s5  }
0xe: {  	[smem:$0x3FB1] =	sst s6  }
0xf: {  	[smem:$0x3FB2] =	sst s7  }
0x10: {  	[smem:$0x3FB3] =	sst s8  }
0x11: {  	[smem:$0x3FB4] =	sst s9;
	s0 =	simm.s32 @!p0 $0x0  }
0x12: {  	s1 =	sld [smem:$0x3F9A];
	s0 =	simm.s32 @p0 $0x1  }
0x13: {  	[smem:$0x3FB5] =	sst s0;
	s0 =	simm.s32 @!p1 $0x0  }
0x14: {  	s2 =	sld [smem:$0x3F99];
	s0 =	simm.s32 @p1 $0x1  }
0x15: {  	[smem:$0x3FB6] =	sst s0;
	s0 =	simm.s32 @!p2 $0x0  }
0x16: {  	s3 =	sld [smem:$0x3FDB];
	s0 =	simm.s32 @p2 $0x1  }
0x17: {  	s4 =	simm.s32 $0x1BF5;
	[smem:$0x3FB8] =	sst s0  }
0x18: {  	s0 =	sld [smem:$0x3F9B];
	_ =	swait.ge [sflag:s4], $0x0  }
0x19: {  	s7 =	sld [smem:$0x3F9C]  }
0x1a: {  	s8 =	sadd.s32 $0xFFFFE003, lr  }
0x1b: {  	s9 =	sadd.s32 $0xFFFFFEF7, lr;
	s5 =	simm.s32 $0xFFFFFFFF;
	p2 =	slt.u32 s8, $0xFFFFF086  }
0x1c: {  	p1 =	slt.u32 s9, $0xF7A;
	s5 =	simm.s32 @!p2 $0x0  }
0x1d: {  	s5 =	simm.s32 @p1 $0x1;
	p0 =	seq.s32 s7, s2  }
0x1e: {  	s7 =	smul.u32 @!p0 $0xF7A, s2;
	p2 =	seq.s32 @!p0 s5, $0x0  }
0x1f: {  	s9 =	smul.u32 $0xF7A, s1;
	s8 =	simm.s32 @!p0 $0x1BF5;
	p2 =	por !p2, p0  }
0x20: {  	[sflag:s8] =	ssyncset.s32 @!p0 $0xFFFFF086;
	s6 =	sadd.s32 @!p0 s3, s7;
	s7 =	simm.s32 @!p0 $0x108  }
0x21: {  	s3 =	sadd.s32 s3, s9;
	s6 =	sadd.s32 @!p0 $0x88, s6;
	s7 =	simm.s32 @p2 $0x1082  }
0x22: {  	[simem:s7], [sflag:s8] =	dma.local @!p0 [hbm:s6], $0xF7A  }
0x23: {  	s9 =	sor.u32 $0xD0000000, s2;
	s6 =	simm.s32 $0x108;
	_ =	swait.ge @!p0 [sflag:s8], $0x0  }
0x24: {  	s3 =	sadd.s32 $0x88, s3;
	s6 =	simm.s32 @!p1 $0x1082;
	[sflag:s4] =	ssyncset.s32 $0xFFFFF086  }
0x25: {  	[simem:s6], [sflag:s4] =	dma.local [hbm:s3], $0xF7A  }
0x26: {  	[smem:$0x3F9C] =	sst s1;
	(tag) =	ssettag s2;
	_ =	strace s9  }
0x27: {  	s1 =	sld [smem:$0x3FAC]  }
0x28: {  	s2 =	sld [smem:$0x3FAD]  }
0x29: {  	s4 =	sld [smem:$0x3FAF]  }
0x2a: {  	p0 =	seq.s32 s5, $0x0;
	s5 =	sld [smem:$0x3FB0]  }
0x2b: {  	s6 =	sld [smem:$0x3FB1]  }
0x2c: {  	s7 =	sld [smem:$0x3FB2]  }
0x2d: {  	s3 =	simm.s32 $0x108;
	s8 =	sld [smem:$0x3FB3]  }
0x2e: {  	s3 =	simm.s32 @!p0 $0x1082;
	s9 =	sld [smem:$0x3FB4]  }
0x2f: {  	lr =	sadd.s32 s0, s3;
	s0 =	sld [smem:$0x3FAB]  }
0x30: {  	s3 =	sld [smem:$0x3FAE]  }
0x31: {  	[smem:$0x3FB7] =	sst s10  }
0x32: {  	s10 =	sld [smem:$0x3FB5];
	_ =	sdelay $0x3  }
0x33: {  	p0 =	seq.s32 s10, $0x1;
	s10 =	sld [smem:$0x3FB7];
	_ =	sdelay $0x3  }
0x34: {  	[smem:$0x3FB7] =	sst s10  }
0x35: {  	s10 =	sld [smem:$0x3FB6];
	_ =	sdelay $0x3  }
0x36: {  	p1 =	seq.s32 s10, $0x1;
	s10 =	sld [smem:$0x3FB7];
	_ =	sdelay $0x3  }
0x37: {  	[smem:$0x3FB7] =	sst s10  }
0x38: {  	s10 =	sld [smem:$0x3FB8]  }
0x39: {  	_ = 	snop;
	(pc) =	sbr.ind lr, $3  }
0x3a: {  	_ = 	snop  }
0x3b: {  	_ = 	snop  }
0x3c: {  	p2 =	seq.s32 s10, $0x1;
	s10 =	sld [smem:$0x3FB7]  }
0x3d: {  	_ =	shalt  }
0x3e: {  	_ =	shalt  }
0x3f: {  	_ =	shalt  }
0x40: {  	_ =	shalt  }
0x41: {  	_ =	shalt  }
0x42: {  	_ =	shalt  }
0x43: {  	_ =	shalt  }
0x44: {  	_ =	shalt  }
0x45: {  	_ =	shalt  }
0x46: {  	_ =	shalt  }
0x47: {  	_ =	shalt  }
0x48: {  	_ =	shalt  }
0x49: {  	_ =	shalt  }
0x4a: {  	_ =	shalt  }
0x4b: {  	_ =	shalt  }
0x4c: {  	_ =	shalt  }
0x4d: {  	_ =	shalt  }
0x4e: {  	_ =	shalt  }
0x4f: {  	_ =	shalt  }
0x50: {  	_ =	shalt  }
0x51: {  	_ =	shalt  }
0x52: {  	_ =	shalt  }
0x53: {  	_ =	shalt  }
0x54: {  	_ =	shalt  }
0x55: {  	_ =	shalt  }
0x56: {  	_ =	shalt  }
0x57: {  	_ =	shalt  }
0x58: {  	_ =	shalt  }
0x59: {  	_ =	shalt  }
0x5a: {  	_ =	shalt  }
0x5b: {  	_ =	shalt  }
0x5c: {  	_ =	shalt  }
0x5d: {  	_ =	shalt  }
0x5e: {  	_ =	shalt  }
0x5f: {  	_ =	shalt  }
0x60: {  	_ =	shalt  }
0x61: {  	_ =	shalt  }
0x62: {  	_ =	shalt  }
0x63: {  	_ =	shalt  }
0x64: {  	_ =	shalt  }
0x65: {  	_ =	shalt  }
0x66: {  	_ =	shalt  }
0x67: {  	_ =	shalt  }
0x68: {  	_ =	shalt  }
0x69: {  	_ =	shalt  }
0x6a: {  	_ =	shalt  }
0x6b: {  	_ =	shalt  }
0x6c: {  	_ =	shalt  }
0x6d: {  	_ =	shalt  }
0x6e: {  	_ =	shalt  }
0x6f: {  	_ =	shalt  }
0x70: {  	_ =	shalt  }
0x71: {  	_ =	shalt  }
0x72: {  	_ =	shalt  }
0x73: {  	_ =	shalt  }
0x74: {  	_ =	shalt  }
0x75: {  	_ =	shalt  }
0x76: {  	_ =	shalt  }
0x77: {  	_ =	shalt  }
0x78: {  	_ =	shalt  }
0x79: {  	_ =	shalt  }
0x7a: {  	_ =	shalt  }
0x7b: {  	_ =	shalt  }
0x7c: {  	_ =	shalt  }
0x7d: {  	_ =	shalt  }
0x7e: {  	_ =	shalt  }
0x7f: {  	_ =	shalt  }
0x80: {  	_ =	shalt  }
0x81: {  	_ =	shalt  }
0x82: {  	_ =	shalt  }
0x83: {  	_ =	shalt  }
0x84: {  	_ =	shalt  }
0x85: {  	_ =	shalt  }
0x86: {  	_ =	shalt  }
0x87: {  	_ =	shalt  }
.Lfunc_end0:
.L_simem_size_0:
called_computation_lowered:
.L_overlay_start_0:
0x88: {  	s2 =	sld [smem:$0x3FD9]  }
0x89: {  	s3 =	sld [smem:$0x3FFE];
	_ =	sdelay $0x1  }
0x8a: {  	s1 =	srdreg.scid  }
0x8b: {  	s0 =	sand.u32 $0x1, s1  }
0x8c: {  	s16 =	sshll.u32 s0, $0xA;
	s2 =	sadd.s32 s3, s2  }
0x8d: {  	s2 =	sadd.s32 s2, s16  }
0x8e: {  	[smem:$0x3FC3] =	sst s2  }
0x8f: {  	_ = 	snop  }
0x90: {  	(tm) =	ssettm $0x1  }
0x91: {  	s17 =	sld [smem:$0x3FFB];
	_ =	sdelay $0x3  }
0x92: {  	_ =	strace s17  }
0x93: {  	s2 =	sld [smem:$0x3FFC];
	_ =	sdelay $0x3  }
0x94: {  	_ =	strace s2  }
0x95: {  	s2 =	sld [smem:$0x3FFD];
	_ =	sdelay $0x3  }
0x96: {  	_ =	strace s2  }
0x97: {  	_ =	strace $0x8FFFFFFF  }
0x98: {  	s18 =	sld [smem:$0x3FDB];
	_ =	sdelay $0x1  }
0x99: {  	s19 =	simm.s32 $_scs_section_size  }
0x9a: {  	s4 =	simm.s32 $_size__tile_overlayer_lowered;
	s5 =	simm.s32 $_tile_overlayer_lowered  }
0x9b: {  	s22 =	simm.s32 $0x1BFF;
	s21 =	sshll.u32 s5, $0x1;
	s2 =	sadd.s32 s19, s18  }
0x9c: {  	s6 =	simm.s32 $0x0;
	s20 =	sshll.u32 s4, $0x1;
	s4 =	sadd.s32 s21, s2  }
0x9d: {  	[timem:s6], [sflag:s22] =	dma.local [hbm:s4], s20  }
0x9e: {  	_ =	swait.ge [sflag:s22], s20  }
0x9f: {  	s3 =	ssub.s32 $0x0, s20;
	[sflag:s22] =	ssyncset.done $0x0  }
0xa0: {  	[sflag:s22] =	ssyncadd.s32 s3;
	_ =	sdelay $0x1  }
0xa1: {  	s23 =	simm.s32 $0x1B8B  }
0xa2: {  	_ =	swait.ge [sflag:s23], $0x1  }
0xa3: {  	[sflag:s23] =	ssyncset.done $0x0  }
0xa4: {  	s25 =	simm.s32 $0x1B8E;
	s24 =	sld [smem:$0x3FFE];
	[sflag:s23] =	ssyncadd.s32 $0xFFFFFFFF  }
0xa5: {  	s26 =	simm.s32 $execute0_lowered;
	[smem:$0x3FD2] =	sst s25  }
0xa6: {  	s4 =	sshll.u32 s26, $0x1;
	_ =	strace $0x80000046;
	[dreg:$0x1] =	wrdreg $0xFFFFFFFF  }
0xa7: {  	s28 =	simm.s32 $_size_execute0_lowered;
	s2 =	sadd.s32 s2, s4;
	[dreg:$0x0] =	wrdreg $0x0  }
0xa8: {  	s4 =	sshll.u32 s28, $0x1;
	[dreg:$0x2] =	wrdreg s2  }
0xa9: {  	[dreg:$0x3] =	wrdreg s4  }
0xaa: {  	[dreg:$0x4] =	wrdreg $0xC0  }
0xab: {  	_ =	task [dreg:s6], $0x5FFFF  }
0xac: {  	[dreg:$0x1] =	wrdreg $0xFFFFFFFF  }
0xad: {  	[dreg:$0x0] =	wrdreg $0x60  }
0xae: {  	[dreg:$0x2] =	wrdreg s24  }
0xaf: {  	[dreg:$0x3] =	wrdreg $0x9  }
0xb0: {  	_ =	task.clear_ibuf [dreg:s6], $0x4FFFF;
	_ =	strace $0x90000046  }
0xb1: {  	s29 =	simm.s32 $0x9;
	_ =	strace $0x80000048  }
0xb2: {  	_ =	swait.ge [sflag:s29], $0x1  }
0xb3: {  	[sflag:s29] =	ssyncadd.s32 $0xFFFFFFFF  }
0xb4: {  	_ =	strace $0x90000048  }
0xb5: {  	_ =	sfence  }
0xb6: {  	s30 =	sld [smem:$0x0];
	_ =	sdelay $0x2  }
0xb7: {  	s31 =	sshll.u32 s1, $0xD;
	s1 =	sshrl.u32 s1, $0x2  }
0xb8: {  	s3 =	sand.u32 $0x4000, s31;
	s1 =	sadd.s32 s1, s30  }
0xb9: {  	s0 =	sor.u32 s3, s0;
	s1 =	sshll.u32 s1, $0x11  }
0xba: {  	s0 =	sor.u32 s1, s0  }
0xbb: {  	s0 =	sadd.s32 $0x8F2B, s0  }
0xbc: {  	[sflag:s0] =	ssyncadd.remote.s32 $0x1  }
0xbd: {  	_ =	sfence.sel $0xFFFF  }
0xbe: {  	[dreg:$0x0] =	wrdreg $0xFFFFFFFF;
	(pc) =	sbr.abs _section_cstart, $3  }
0xbf: {  	[dreg:$0x1] =	wrdreg $0xFFFFFFFF  }
0xc0: {  	_ =	task.clear_ibuf [dreg:s6], $0x2FFFF;
	_ =	strace $0x9FFFFFFF  }
0xc1: {  	(tm) =	ssettm $0x7FFFFFFF  }
tec
execute0_lowered:
.L_overlay_start_1:
0x0: {  	(tag) =	ssettag $0x1  }
0x1: {  	s6 =	rddreg [dreg:$0x0]  }
0x2: {  	s0 =	rddreg [dreg:$0x1];
	s2 =	simm.s32 $0x0;
	s4 =	srdreg.scid  }
0x3: {  	s1 =	stileid.u32;
	s13 =	simm.s32 $0x400;
	s14 =	simm.s32 $0x2000  }
0x4: {  	s15 =	simm.s32 $0x8000;
	s16 =	simm.s32 $0x10000;
	s17 =	simm.s32 $0x5  }
0x5: {  	s18 =	simm.s32 $0x4000;
	s19 =	simm.s32 $0xC000;
	s20 =	simm.s32 $0x1  }
0x6: {  	s21 =	simm.s32 $0x3;
	s22 =	simm.s32 $0x2;
	s23 =	simm.s32 $0x4  }
0x7: {  	s24 =	simm.s32 $0x0;
	[smem:$0x7FF] =	sst s2;
	s3 =	sadd.s32 $0x1000, s6  }
0x8: {  	s5 =	sand.u32 $0x1, s4;
	s7 =	sshll.u32 s1, $0x1;
	s4 =	sadd.s32 $0x201000, s6  }
0x9: {  	_ =	strace $0x80000047;
	s7 =	sor.u32 s5, s7;
	s8 =	ssub.s32 $0x2, s5  }
0xa: {  	s5 =	sadd.s32 $0x241000, s6;
	s9 =	sshll.u32 s7, $0xC;
	s10 =	sshrl.u32 s8, $0x1  }
0xb: {  	s28 =	sshll.u32 s7, $0x9;
	s29 =	sshll.u32 s7, $0x10;
	s7 =	sshll.u32 s7, $0xD  }
0xc: {  	v25 =	vlaneseq.u32;
	s11 =	sadd.s32 s9, s6;
	s12 =	ssub.s32 s8, s10;
	s30 =	sor.u32 $0x100, s28  }
0xd: {  	v24 =	vor.u32 $0x10, v25;
	s6 =	sadd.s32 s3, s29;
	s7 =	sadd.s32 s4, s7;
	s8 =	sor.u32 $0x80, s28  }
0xe: {  	v2 =	vor.u32 $0x20, v25;
	v3 =	vor.u32 $0x30, v25;
	v4 =	vor.u32 $0x40, v25;
	s31 =	sshll.u32 s30, $0x7;
	s10 =	sshll.u32 s30, $0x4;
	s11 =	sadd.s32 $0x242000, s11  }
0xf: {  	v5 =	vor.u32 $0x50, v25;
	v6 =	vor.u32 $0x60, v25;
	v7 =	vor.u32 $0x70, v25;
	s12 =	smax.u32 s12, $0x1;
	s9 =	sadd.s32 s3, s31;
	s10 =	sadd.s32 s4, s10  }
.LBB2_1:
0x10: {  	[tilespmem:s2], [sflag:$0x1] =	stream.strided.gather [hbm4b:s6+s13], $0x4000, s14, s13, $0x38;
	[tilespmem:$0x18000] =	vst v63  }
0x11: {  	_ = 	snop  }
0x12: {  	[tilespmem:s15], [sflag:$0x3] =	stream.linear.gather [hbm4b:s7+s2], $0x4000, $0x38;
	[tilespmem:$0x18000] =	vst v63  }
0x13: {  	_ = 	snop  }
0x14: {  	[tilespmem:s16], [sflag:$0x5] =	stream.linear.gather [hbm4b:s5+s2], $0x8000, $0x38;
	[tilespmem:$0x18000] =	vst v63  }
0x15: {  	_ =	swait.ge [sflag:s17], $0x8000  }
0x16: {  	[sflag:s17] =	ssyncset.done $0x0  }
0x17: {  	p1 =	por $0x1, $0x1;
	s25 =	simm.s32 $0x0;
	[sflag:s17] =	ssyncadd.s32 $0xFFFF8000  }
.LBB2_3:
0x18: {  	s25 =	sor.u32 s8, s25  }
0x19: {  	s26 =	sshll.u32 s25, $0x7  }
0x1a: {  	s25 =	sshll.u32 s25, $0x4;
	s26 =	sadd.s32 s3, s26  }
0x1b: {  	[tilespmem:s18], [sflag:$0x2] =	stream.strided.gather [hbm4b:s26+s13], $0x4000, s14, s13, $0x38;
	[tilespmem:$0x18000] =	vst v63  }
0x1c: {  	s25 =	sadd.s32 s4, s25  }
0x1d: {  	[tilespmem:s19], [sflag:$0x4] =	stream.linear.gather [hbm4b:s25+s2], $0x4000, $0x38;
	[tilespmem:$0x18000] =	vst v63  }
0x1e: {  	_ =	swait.ge [sflag:s20], $0x4000  }
0x1f: {  	[sflag:s20] =	ssyncset.done $0x0  }
0x20: {  	[sflag:s20] =	ssyncadd.s32 $0xFFFFC000  }
0x21: {  	_ =	swait.ge [sflag:s21], $0x4000  }
0x22: {  	[sflag:s21] =	ssyncset.done $0x0  }
0x23: {  	s31 =	simm.s32 $0x8200;
	[sflag:s21] =	ssyncadd.s32 $0xFFFFC000  }
0x24: {  	v8 =	vld [tilespmem:s31+$0x180]  }
0x25: {  	v10 =	vld [tilespmem:s31+$0xFFFFFE80]  }
0x26: {  	v11 =	vld [tilespmem:s31+$0xFFFFFF00]  }
0x27: {  	v12 =	vld [tilespmem:s31+$0xFFFFFF80]  }
0x28: {  	v13 =	vld [tilespmem:s31+$0xFFFFFE00]  }
0x29: {  	v14 =	vld [tilespmem:s31+$0x0]  }
0x2a: {  	s25 =	simm.s32 $0x200;
	v16 =	vld [tilespmem:s31+$0x80];
	v15 =	vshll.u32 v8, $0x7  }
0x2b: {  	v8 =	vld [tilespmem:s25+$0x180];
	v9 =	vor.u32 v25, v15  }
0x2c: {  	v19 =	vld [tilespmem:s31+$0x100]  }
0x2d: {  	v35 =	vld [tilespmem:s25+$0xFFFFFE00]  }
0x2e: {  	v21 =	vld [tilespmem:s25+$0xFFFFFE80]  }
0x2f: {  	v0 =	vld [tilespmem:s25+$0xFFFFFF00]  }
0x30: {  	[tilespmem:v9+s16+$0x0] =	vst.idx.add.f32.msk $0xffff, v8  }
0x31: {  	v18 =	vor.u32 v24, v15;
	v9 =	vshll.u32 v13, $0x7;
	v17 =	vld [tilespmem:s25+$0x190]  }
0x32: {  	v38 =	vld [tilespmem:s25+$0xFFFFFF80];
	v8 =	vshll.u32 v10, $0x7;
	v20 =	vor.u32 v25, v9  }
0x33: {  	v40 =	vld [tilespmem:s25+$0x0];
	v10 =	vshll.u32 v11, $0x7;
	v22 =	vor.u32 v25, v8  }
0x34: {  	v42 =	vld [tilespmem:s25+$0x80];
	v11 =	vshll.u32 v12, $0x7;
	v37 =	vor.u32 v25, v10  }
0x35: {  	v43 =	vld [tilespmem:s25+$0x100];
	v13 =	vshll.u32 v16, $0x7;
	v39 =	vor.u32 v25, v11  }
0x36: {  	v12 =	vshll.u32 v14, $0x7;
	v14 =	vshll.u32 v19, $0x7;
	v1 =	vor.u32 v25, v13;
	[tilespmem:v18+s16+$0x0] =	vst.idx.add.f32.msk $0xffff, v17  }
0x37: {  	v19 =	vor.u32 v25, v14;
	[tilespmem:v20+s16+$0x0] =	vst.idx.add.f32.msk $0xffff, v35  }
0x38: {  	[tilespmem:v22+s16+$0x0] =	vst.idx.add.f32.msk $0xffff, v21  }
0x39: {  	[tilespmem:v37+s16+$0x0] =	vst.idx.add.f32.msk $0xffff, v0  }
0x3a: {  	[tilespmem:v39+s16+$0x0] =	vst.idx.add.f32.msk $0xffff, v38  }
0x3b: {  	[tilespmem:v1+s16+$0x0] =	vst.idx.add.f32.msk $0xffff, v42  }
0x3c: {  	[tilespmem:v19+s16+$0x0] =	vst.idx.add.f32.msk $0xffff, v43  }
0x3d: {  	v17 =	vld [tilespmem:s25+$0x1A0]  }
0x3e: {  	v46 =	vld [tilespmem:s25+$0xFFFFFE10]  }
0x3f: {  	v0 =	vor.u32 v25, v12;
	v48 =	vld [tilespmem:s25+$0xFFFFFE90]  }
0x40: {  	v36 =	vor.u32 v2, v15;
	v50 =	vld [tilespmem:s25+$0xFFFFFF10]  }
0x41: {  	v45 =	vor.u32 v24, v9;
	v52 =	vld [tilespmem:s25+$0xFFFFFF90]  }
0x42: {  	v57 =	vld [tilespmem:s25+$0x90]  }
0x43: {  	v49 =	vor.u32 v24, v8;
	v60 =	vld [tilespmem:s25+$0x110]  }
0x44: {  	v51 =	vor.u32 v24, v10;
	[tilespmem:v0+s16+$0x0] =	vst.idx.add.f32.msk $0xffff, v40  }
0x45: {  	v53 =	vor.u32 v24, v11;
	[tilespmem:v36+s16+$0x0] =	vst.idx.add.f32.msk $0xffff, v17  }
0x46: {  	v58 =	vor.u32 v24, v13;
	[tilespmem:v45+s16+$0x0] =	vst.idx.add.f32.msk $0xffff, v46  }
0x47: {  	v59 =	vor.u32 v24, v14;
	v54 =	vld [tilespmem:s25+$0x10]  }
0x48: {  	[tilespmem:v49+s16+$0x0] =	vst.idx.add.f32.msk $0xffff, v48  }
0x49: {  	[tilespmem:v51+s16+$0x0] =	vst.idx.add.f32.msk $0xffff, v50  }
0x4a: {  	[tilespmem:v53+s16+$0x0] =	vst.idx.add.f32.msk $0xffff, v52  }
0x4b: {  	[tilespmem:v58+s16+$0x0] =	vst.idx.add.f32.msk $0xffff, v57  }
0x4c: {  	[tilespmem:v59+s16+$0x0] =	vst.idx.add.f32.msk $0xffff, v60  }
0x4d: {  	v17 =	vld [tilespmem:s25+$0x1B0]  }
0x4e: {  	v63 =	vld [tilespmem:s25+$0xFFFFFE20]  }
0x4f: {  	v55 =	vor.u32 v24, v12;
	v28 =	vld [tilespmem:s25+$0xFFFFFEA0]  }
0x50: {  	v41 =	vor.u32 v3, v15;
	v30 =	vld [tilespmem:s25+$0xFFFFFF20]  }
0x51: {  	v62 =	vor.u32 v2, v9;
	v32 =	vld [tilespmem:s25+$0xFFFFFFA0]  }
0x52: {  	v37 =	vld [tilespmem:s25+$0xA0]  }
0x53: {  	v29 =	vor.u32 v2, v8;
	v39 =	vld [tilespmem:s25+$0x120]  }
0x54: {  	v31 =	vor.u32 v2, v10;
	[tilespmem:v55+s16+$0x0] =	vst.idx.add.f32.msk $0xffff, v54  }
0x55: {  	v33 =	vor.u32 v2, v11;
	[tilespmem:v41+s16+$0x0] =	vst.idx.add.f32.msk $0xffff, v17  }
0x56: {  	v36 =	vor.u32 v2, v13;
	[tilespmem:v62+s16+$0x0] =	vst.idx.add.f32.msk $0xffff, v63  }
0x57: {  	v38 =	vor.u32 v2, v14;
	v34 =	vld [tilespmem:s25+$0x20]  }
0x58: {  	[tilespmem:v29+s16+$0x0] =	vst.idx.add.f32.msk $0xffff, v28  }
0x59: {  	[tilespmem:v31+s16+$0x0] =	vst.idx.add.f32.msk $0xffff, v30  }
0x5a: {  	[tilespmem:v33+s16+$0x0] =	vst.idx.add.f32.msk $0xffff, v32  }
0x5b: {  	[tilespmem:v36+s16+$0x0] =	vst.idx.add.f32.msk $0xffff, v37  }
0x5c: {  	[tilespmem:v38+s16+$0x0] =	vst.idx.add.f32.msk $0xffff, v39  }
0x5d: {  	v17 =	vld [tilespmem:s25+$0x1C0]  }
0x5e: {  	v35 =	vor.u32 v2, v12;
	v41 =	vld [tilespmem:s25+$0xFFFFFE30]  }
0x5f: {  	v44 =	vor.u32 v4, v15;
	v43 =	vld [tilespmem:s25+$0xFFFFFEB0]  }
0x60: {  	v21 =	vld [tilespmem:s25+$0xFFFFFFB0]  }
0x61: {  	v40 =	vor.u32 v3, v9;
	v50 =	vld [tilespmem:s25+$0xB0]  }
0x62: {  	v42 =	vor.u32 v3, v8;
	v52 =	vld [tilespmem:s25+$0x130]  }
0x63: {  	v46 =	vor.u32 v3, v11;
	[tilespmem:v35+s16+$0x0] =	vst.idx.add.f32.msk $0xffff, v34  }
0x64: {  	v49 =	vor.u32 v3, v13;
	[tilespmem:v44+s16+$0x0] =	vst.idx.add.f32.msk $0xffff, v17  }
0x65: {  	v51 =	vor.u32 v3, v14;
	v44 =	vld [tilespmem:s25+$0xFFFFFF30]  }
0x66: {  	[tilespmem:v40+s16+$0x0] =	vst.idx.add.f32.msk $0xffff, v41  }
0x67: {  	[tilespmem:v42+s16+$0x0] =	vst.idx.add.f32.msk $0xffff, v43  }
0x68: {  	[tilespmem:v46+s16+$0x0] =	vst.idx.add.f32.msk $0xffff, v21  }
0x69: {  	[tilespmem:v49+s16+$0x0] =	vst.idx.add.f32.msk $0xffff, v50  }
0x6a: {  	[tilespmem:v51+s16+$0x0] =	vst.idx.add.f32.msk $0xffff, v52  }
0x6b: {  	v45 =	vor.u32 v3, v10;
	v17 =	vld [tilespmem:s25+$0x1D0]  }
0x6c: {  	v47 =	vor.u32 v5, v15;
	v54 =	vld [tilespmem:s25+$0xFFFFFE40]  }
0x6d: {  	v21 =	vld [tilespmem:s25+$0xFFFFFFC0]  }
0x6e: {  	v63 =	vld [tilespmem:s25+$0xC0]  }
0x6f: {  	v53 =	vor.u32 v4, v9;
	v29 =	vld [tilespmem:s25+$0x140]  }
0x70: {  	v59 =	vor.u32 v4, v11;
	[tilespmem:v45+s16+$0x0] =	vst.idx.add.f32.msk $0xffff, v44  }
0x71: {  	v62 =	vor.u32 v4, v13;
	[tilespmem:v47+s16+$0x0] =	vst.idx.add.f32.msk $0xffff, v17  }
0x72: {  	v28 =	vor.u32 v4, v14;
	v47 =	vld [tilespmem:s25+$0x30]  }
0x73: {  	v57 =	vld [tilespmem:s25+$0xFFFFFF40]  }
0x74: {  	[tilespmem:v53+s16+$0x0] =	vst.idx.add.f32.msk $0xffff, v54  }
0x75: {  	[tilespmem:v59+s16+$0x0] =	vst.idx.add.f32.msk $0xffff, v21  }
0x76: {  	[tilespmem:v62+s16+$0x0] =	vst.idx.add.f32.msk $0xffff, v63  }
0x77: {  	[tilespmem:v28+s16+$0x0] =	vst.idx.add.f32.msk $0xffff, v29  }
0x78: {  	v48 =	vor.u32 v3, v12;
	v56 =	vld [tilespmem:s25+$0x1E0]  }
0x79: {  	v58 =	vor.u32 v4, v10;
	v31 =	vld [tilespmem:s25+$0xFFFFFE50]  }
0x7a: {  	v0 =	vor.u32 v6, v15;
	v21 =	vld [tilespmem:s25+$0xFFFFFFD0]  }
0x7b: {  	v40 =	vld [tilespmem:s25+$0xD0]  }
0x7c: {  	v42 =	vld [tilespmem:s25+$0x150]  }
0x7d: {  	[tilespmem:v48+s16+$0x0] =	vst.idx.add.f32.msk $0xffff, v47  }
0x7e: {  	v30 =	vor.u32 v5, v9;
	[tilespmem:v58+s16+$0x0] =	vst.idx.add.f32.msk $0xffff, v57  }
0x7f: {  	v36 =	vor.u32 v5, v11;
	[tilespmem:v0+s16+$0x0] =	vst.idx.add.f32.msk $0xffff, v56  }
0x80: {  	v39 =	vor.u32 v5, v13;
	v56 =	vld [tilespmem:s25+$0xFFFFFEC0]  }
0x81: {  	v41 =	vor.u32 v5, v14;
	v60 =	vld [tilespmem:s25+$0x40]  }
0x82: {  	v34 =	vld [tilespmem:s25+$0xFFFFFF50]  }
0x83: {  	[tilespmem:v30+s16+$0x0] =	vst.idx.add.f32.msk $0xffff, v31  }
0x84: {  	[tilespmem:v36+s16+$0x0] =	vst.idx.add.f32.msk $0xffff, v21  }
0x85: {  	[tilespmem:v39+s16+$0x0] =	vst.idx.add.f32.msk $0xffff, v40  }
0x86: {  	v55 =	vor.u32 v4, v8;
	[tilespmem:v41+s16+$0x0] =	vst.idx.add.f32.msk $0xffff, v42  }
0x87: {  	v35 =	vor.u32 v5, v10;
	v61 =	vld [tilespmem:s25+$0x1F0]  }
0x88: {  	v44 =	vld [tilespmem:s25+$0xFFFFFE60]  }
0x89: {  	v15 =	vor.u32 v7, v15;
	v21 =	vld [tilespmem:s25+$0xFFFFFFE0]  }
0x8a: {  	v52 =	vld [tilespmem:s25+$0xE0]  }
0x8b: {  	[tilespmem:v55+s16+$0x0] =	vst.idx.add.f32.msk $0xffff, v56  }
0x8c: {  	v43 =	vor.u32 v6, v9;
	[tilespmem:v35+s16+$0x0] =	vst.idx.add.f32.msk $0xffff, v34  }
0x8d: {  	v49 =	vor.u32 v6, v11;
	v55 =	vld [tilespmem:s25+$0x160]  }
0x8e: {  	v53 =	vor.u32 v6, v13;
	[tilespmem:v15+s16+$0x0] =	vst.idx.add.f32.msk $0xffff, v61  }
0x8f: {  	v33 =	vld [tilespmem:s25+$0xFFFFFED0]  }
0x90: {  	v47 =	vld [tilespmem:s25+$0xFFFFFF60]  }
0x91: {  	v61 =	vor.u32 v4, v12;
	[tilespmem:v43+s16+$0x0] =	vst.idx.add.f32.msk $0xffff, v44  }
0x92: {  	v32 =	vor.u32 v5, v8;
	[tilespmem:v49+s16+$0x0] =	vst.idx.add.f32.msk $0xffff, v21  }
0x93: {  	[tilespmem:v53+s16+$0x0] =	vst.idx.add.f32.msk $0xffff, v52  }
0x94: {  	v56 =	vld [tilespmem:s25+$0xFFFFFE70]  }
0x95: {  	v54 =	vor.u32 v6, v14;
	v62 =	vld [tilespmem:s25+$0xF0]  }
0x96: {  	v48 =	vor.u32 v6, v10;
	[tilespmem:v61+s16+$0x0] =	vst.idx.add.f32.msk $0xffff, v60  }
0x97: {  	[tilespmem:v32+s16+$0x0] =	vst.idx.add.f32.msk $0xffff, v33  }
0x98: {  	v38 =	vor.u32 v5, v12;
	v37 =	vld [tilespmem:s25+$0x50]  }
0x99: {  	v45 =	vor.u32 v6, v8;
	v46 =	vld [tilespmem:s25+$0xFFFFFEE0]  }
0x9a: {  	[tilespmem:v54+s16+$0x0] =	vst.idx.add.f32.msk $0xffff, v55  }
0x9b: {  	[tilespmem:v48+s16+$0x0] =	vst.idx.add.f32.msk $0xffff, v47  }
0x9c: {  	v60 =	vld [tilespmem:s25+$0xFFFFFFF0]  }
0x9d: {  	[tilespmem:v38+s16+$0x0] =	vst.idx.add.f32.msk $0xffff, v37  }
0x9e: {  	v9 =	vor.u32 v7, v9;
	[tilespmem:v45+s16+$0x0] =	vst.idx.add.f32.msk $0xffff, v46  }
0x9f: {  	v51 =	vor.u32 v6, v12;
	v50 =	vld [tilespmem:s25+$0x60]  }
0xa0: {  	v8 =	vor.u32 v7, v8;
	v57 =	vld [tilespmem:s25+$0xFFFFFEF0]  }
0xa1: {  	v63 =	vld [tilespmem:s25+$0x170]  }
0xa2: {  	v11 =	vor.u32 v7, v11;
	v58 =	vld [tilespmem:s25+$0xFFFFFF70]  }
0xa3: {  	v14 =	vor.u32 v7, v14;
	[tilespmem:v9+s16+$0x0] =	vst.idx.add.f32.msk $0xffff, v56  }
0xa4: {  	v59 =	vor.u32 v7, v10;
	[tilespmem:v51+s16+$0x0] =	vst.idx.add.f32.msk $0xffff, v50  }
0xa5: {  	[tilespmem:v8+s16+$0x0] =	vst.idx.add.f32.msk $0xffff, v57;
	v8 =	vor.u32 v7, v13  }
0xa6: {  	v12 =	vor.u32 v7, v12;
	v61 =	vld [tilespmem:s25+$0x70]  }
0xa7: {  	[tilespmem:v11+s16+$0x0] =	vst.idx.add.f32.msk $0xffff, v60  }
0xa8: {  	[tilespmem:v14+s16+$0x0] =	vst.idx.add.f32.msk $0xffff, v63  }
0xa9: {  	[tilespmem:v59+s16+$0x0] =	vst.idx.add.f32.msk $0xffff, v58  }
0xaa: {  	[tilespmem:v8+s16+$0x0] =	vst.idx.add.f32.msk $0xffff, v62  }
0xab: {  	p0 =	por p1, p1;
	s28 =	simm.s32 $0x8600;
	s26 =	simm.s32 $0x0;
	[tilespmem:v12+s16+$0x0] =	vst.idx.add.f32.msk $0xffff, v61  }
.LBB2_4:
0xac: {  	v8 =	vld [tilespmem:s28+$0x180]  }
0xad: {  	v9 =	vld [tilespmem:s28+$0xFFFFFE80]  }
0xae: {  	v10 =	vld [tilespmem:s28+$0xFFFFFF00]  }
0xaf: {  	v11 =	vld [tilespmem:s28+$0xFFFFFF80]  }
0xb0: {  	v12 =	vld [tilespmem:s28+$0x0]  }
0xb1: {  	v13 =	vld [tilespmem:s28+$0x80]  }
0xb2: {  	v17 =	vld [tilespmem:s28+$0xFFFFFE00]  }
0xb3: {  	s25 =	sadd.s32 $0x400, s25;
	v16 =	vld [tilespmem:s28+$0x100]  }
0xb4: {  	v34 =	vld [tilespmem:s25+$0x180]  }
0xb5: {  	v19 =	vld [tilespmem:s25+$0xFFFFFE00]  }
0xb6: {  	v22 =	vld [tilespmem:s25+$0xFFFFFF00];
	v36 =	vshll.u32 v8, $0x7  }
0xb7: {  	v26 =	vld [tilespmem:s25+$0xFFFFFF80];
	v59 =	vshll.u32 v17, $0x7;
	v14 =	vor.u32 v25, v36  }
0xb8: {  	v28 =	vld [tilespmem:s25+$0x0];
	v8 =	vshll.u32 v9, $0x7;
	v17 =	vor.u32 v25, v59  }
0xb9: {  	v56 =	vshll.u32 v12, $0x7;
	v12 =	vld [tilespmem:s25+$0xFFFFFE80];
	v15 =	vor.u32 v25, v8  }
0xba: {  	v63 =	vld [tilespmem:s25+$0x80];
	v10 =	vshll.u32 v10, $0x7  }
0xbb: {  	v0 =	vld [tilespmem:s25+$0x100];
	v11 =	vshll.u32 v11, $0x7;
	v18 =	vor.u32 v25, v10  }
0xbc: {  	v45 =	vor.u32 v24, v8;
	v20 =	vor.u32 v25, v11;
	[tilespmem:v14+s16+$0x0] =	vst.idx.add.f32.msk $0xffff, v34  }
0xbd: {  	v13 =	vshll.u32 v13, $0x7;
	v52 =	vor.u32 v24, v10;
	v21 =	vor.u32 v25, v56;
	[tilespmem:v17+s16+$0x0] =	vst.idx.add.f32.msk $0xffff, v19  }
0xbe: {  	v58 =	vshll.u32 v16, $0x7;
	v55 =	vor.u32 v24, v56;
	v57 =	vor.u32 v25, v13;
	[tilespmem:v15+s16+$0x0] =	vst.idx.add.f32.msk $0xffff, v12  }
0xbf: {  	v44 =	vor.u32 v2, v8;
	v35 =	vor.u32 v24, v36;
	v60 =	vor.u32 v25, v58;
	v9 =	vld [tilespmem:s25+$0x190]  }
0xc0: {  	v48 =	vor.u32 v2, v10;
	v47 =	vor.u32 v2, v56;
	[tilespmem:v18+s16+$0x0] =	vst.idx.add.f32.msk $0xffff, v22  }
0xc1: {  	v40 =	vor.u32 v3, v8;
	v38 =	vor.u32 v3, v10;
	[tilespmem:v20+s16+$0x0] =	vst.idx.add.f32.msk $0xffff, v26  }
0xc2: {  	v39 =	vor.u32 v3, v56;
	v33 =	vor.u32 v4, v8;
	[tilespmem:v21+s16+$0x0] =	vst.idx.add.f32.msk $0xffff, v28  }
0xc3: {  	v30 =	vor.u32 v4, v10;
	v31 =	vor.u32 v4, v56;
	[tilespmem:v57+s16+$0x0] =	vst.idx.add.f32.msk $0xffff, v63  }
0xc4: {  	v25 =	vor.u32 v5, v10;
	v27 =	vor.u32 v5, v56;
	[tilespmem:v35+s16+$0x0] =	vst.idx.add.f32.msk $0xffff, v9  }
0xc5: {  	v16 =	vor.u32 v6, v10;
	v14 =	vor.u32 v2, v36;
	v22 =	vor.u32 v5, v8;
	v9 =	vld [tilespmem:s25+$0x1A0]  }
0xc6: {  	v19 =	vor.u32 v6, v8;
	v17 =	vor.u32 v6, v56;
	[tilespmem:v60+s16+$0x0] =	vst.idx.add.f32.msk $0xffff, v0  }
0xc7: {  	v0 =	vor.u32 v7, v8;
	v8 =	vor.u32 v7, v10;
	v10 =	vor.u32 v7, v56;
	v56 =	vld [tilespmem:s25+$0xFFFFFE90]  }
0xc8: {  	v60 =	vld [tilespmem:s25+$0xFFFFFF90]  }
0xc9: {  	v53 =	vor.u32 v24, v11;
	v63 =	vld [tilespmem:s25+$0x10]  }
0xca: {  	[tilespmem:v14+s16+$0x0] =	vst.idx.add.f32.msk $0xffff, v9  }
0xcb: {  	v1 =	vor.u32 v6, v59;
	v12 =	vor.u32 v3, v36;
	v9 =	vld [tilespmem:s25+$0x1B0]  }
0xcc: {  	[tilespmem:$0x1FFE0] =	vst v1;
	v1 =	vld [tilespmem:s25+$0x90]  }
0xcd: {  	[tilespmem:v45+s16+$0x0] =	vst.idx.add.f32.msk $0xffff, v56  }
0xce: {  	[tilespmem:v53+s16+$0x0] =	vst.idx.add.f32.msk $0xffff, v60  }
0xcf: {  	v54 =	vor.u32 v24, v13;
	v62 =	vor.u32 v24, v59;
	v50 =	vor.u32 v2, v59;
	v60 =	vld [tilespmem:s25+$0xFFFFFFA0]  }
0xd0: {  	v46 =	vor.u32 v2, v11;
	v37 =	vor.u32 v3, v59;
	[tilespmem:v12+s16+$0x0] =	vst.idx.add.f32.msk $0xffff, v9  }
0xd1: {  	v29 =	vor.u32 v4, v59;
	v15 =	vor.u32 v5, v59;
	v9 =	vor.u32 v7, v59;
	v59 =	vld [tilespmem:s25+$0xFFFFFE10]  }
0xd2: {  	[tilespmem:v55+s16+$0x0] =	vst.idx.add.f32.msk $0xffff, v63  }
0xd3: {  	v23 =	vor.u32 v4, v36;
	[tilespmem:$0x1FFF0] =	vst v0;
	v0 =	vld [tilespmem:s25+$0x1C0]  }
0xd4: {  	[tilespmem:v54+s16+$0x0] =	vst.idx.add.f32.msk $0xffff, v1  }
0xd5: {  	[tilespmem:v46+s16+$0x0] =	vst.idx.add.f32.msk $0xffff, v60  }
0xd6: {  	v61 =	vor.u32 v24, v58;
	[tilespmem:v62+s16+$0x0] =	vst.idx.add.f32.msk $0xffff, v59  }
0xd7: {  	v49 =	vor.u32 v2, v58;
	v41 =	vor.u32 v3, v11;
	v43 =	vor.u32 v3, v58;
	v59 =	vld [tilespmem:s25+$0xFFFFFEA0]  }
0xd8: {  	v32 =	vor.u32 v4, v58;
	v34 =	vor.u32 v4, v11;
	[tilespmem:v23+s16+$0x0] =	vst.idx.add.f32.msk $0xffff, v0  }
0xd9: {  	v28 =	vor.u32 v5, v58;
	v20 =	vor.u32 v6, v11;
	v18 =	vor.u32 v6, v58;
	v23 =	vld [tilespmem:s25+$0x110]  }
0xda: {  	v14 =	vor.u32 v5, v11;
	v12 =	vor.u32 v7, v11;
	v11 =	vor.u32 v7, v58;
	v58 =	vld [tilespmem:s25+$0xFFFFFF10]  }
0xdb: {  	v1 =	vld [tilespmem:s25+$0xFFFFFE20]  }
0xdc: {  	v0 =	vld [tilespmem:s25+$0x1D0]  }
0xdd: {  	[tilespmem:v44+s16+$0x0] =	vst.idx.add.f32.msk $0xffff, v59  }
0xde: {  	v57 =	vor.u32 v5, v36;
	[tilespmem:v61+s16+$0x0] =	vst.idx.add.f32.msk $0xffff, v23  }
0xdf: {  	v61 =	vld [tilespmem:s25+$0x20]  }
0xe0: {  	[tilespmem:v50+s16+$0x0] =	vst.idx.add.f32.msk $0xffff, v1  }
0xe1: {  	v1 =	vld [tilespmem:s25+$0xFFFFFEB0]  }
0xe2: {  	v63 =	vld [tilespmem:s25+$0x120]  }
0xe3: {  	[tilespmem:v57+s16+$0x0] =	vst.idx.add.f32.msk $0xffff, v0  }
0xe4: {  	v0 =	vld [tilespmem:s25+$0x1E0]  }
0xe5: {  	v62 =	vor.u32 v6, v36;
	[tilespmem:v47+s16+$0x0] =	vst.idx.add.f32.msk $0xffff, v61  }
0xe6: {  	[tilespmem:v40+s16+$0x0] =	vst.idx.add.f32.msk $0xffff, v1  }
0xe7: {  	[tilespmem:v49+s16+$0x0] =	vst.idx.add.f32.msk $0xffff, v63  }
0xe8: {  	v49 =	vld [tilespmem:s25+$0x30]  }
0xe9: {  	v1 =	vld [tilespmem:s25+$0xFFFFFEC0]  }
0xea: {  	[tilespmem:v62+s16+$0x0] =	vst.idx.add.f32.msk $0xffff, v0  }
0xeb: {  	v51 =	vor.u32 v2, v13;
	v62 =	vld [tilespmem:s25+$0xA0]  }
0xec: {  	[tilespmem:v52+s16+$0x0] =	vst.idx.add.f32.msk $0xffff, v58  }
0xed: {  	v0 =	vld [tilespmem:s25+$0x1F0]  }
0xee: {  	[tilespmem:v39+s16+$0x0] =	vst.idx.add.f32.msk $0xffff, v49  }
0xef: {  	v36 =	vor.u32 v7, v36;
	[tilespmem:v33+s16+$0x0] =	vst.idx.add.f32.msk $0xffff, v1  }
0xf0: {  	[tilespmem:v51+s16+$0x0] =	vst.idx.add.f32.msk $0xffff, v62  }
0xf1: {  	v51 =	vld [tilespmem:s25+$0x130]  }
0xf2: {  	v52 =	vld [tilespmem:s25+$0x40]  }
0xf3: {  	v1 =	vld [tilespmem:s25+$0xFFFFFED0]  }
0xf4: {  	[tilespmem:v36+s16+$0x0] =	vst.idx.add.f32.msk $0xffff, v0  }
0xf5: {  	v0 =	vld [tilespmem:s25+$0xFFFFFF20]  }
0xf6: {  	v36 =	vld [tilespmem:s25+$0xFFFFFFB0]  }
0xf7: {  	v50 =	vld [tilespmem:s25+$0xB0]  }
0xf8: {  	[tilespmem:v43+s16+$0x0] =	vst.idx.add.f32.msk $0xffff, v51  }
0xf9: {  	v42 =	vor.u32 v3, v13;
	[tilespmem:v31+s16+$0x0] =	vst.idx.add.f32.msk $0xffff, v52  }
0xfa: {  	[tilespmem:v22+s16+$0x0] =	vst.idx.add.f32.msk $0xffff, v1  }
0xfb: {  	[tilespmem:v48+s16+$0x0] =	vst.idx.add.f32.msk $0xffff, v0  }
0xfc: {  	v0 =	vld [tilespmem:s25+$0xFFFFFE30]  }
0xfd: {  	[tilespmem:v41+s16+$0x0] =	vst.idx.add.f32.msk $0xffff, v36  }
0xfe: {  	[tilespmem:v42+s16+$0x0] =	vst.idx.add.f32.msk $0xffff, v50  }
0xff: {  	v54 =	vld [tilespmem:s25+$0x140]  }
0x100: {  	v56 =	vld [tilespmem:s25+$0x50]  }
0x101: {  	v1 =	vld [tilespmem:s25+$0xFFFFFEE0]  }
0x102: {  	v48 =	vld [tilespmem:s25+$0xFFFFFF30]  }
0x103: {  	v36 =	vld [tilespmem:s25+$0xFFFFFFC0]  }
0x104: {  	v53 =	vld [tilespmem:s25+$0xC0]  }
0x105: {  	[tilespmem:v37+s16+$0x0] =	vst.idx.add.f32.msk $0xffff, v0  }
0x106: {  	[tilespmem:v32+s16+$0x0] =	vst.idx.add.f32.msk $0xffff, v54  }
0x107: {  	v35 =	vor.u32 v4, v13;
	[tilespmem:v27+s16+$0x0] =	vst.idx.add.f32.msk $0xffff, v56  }
0x108: {  	[tilespmem:v19+s16+$0x0] =	vst.idx.add.f32.msk $0xffff, v1  }
0x109: {  	[tilespmem:v38+s16+$0x0] =	vst.idx.add.f32.msk $0xffff, v48  }
0x10a: {  	v0 =	vld [tilespmem:s25+$0xFFFFFE40]  }
0x10b: {  	[tilespmem:v34+s16+$0x0] =	vst.idx.add.f32.msk $0xffff, v36  }
0x10c: {  	[tilespmem:v35+s16+$0x0] =	vst.idx.add.f32.msk $0xffff, v53  }
0x10d: {  	v32 =	vld [tilespmem:s25+$0x150]  }
0x10e: {  	v60 =	vld [tilespmem:s25+$0x60]  }
0x10f: {  	v1 =	vld [tilespmem:s25+$0xFFFFFEF0]  }
0x110: {  	v23 =	vld [tilespmem:s25+$0xFFFFFF40]  }
0x111: {  	v55 =	vld [tilespmem:s25+$0xFFFFFFD0]  }
0x112: {  	v57 =	vld [tilespmem:s25+$0xD0]  }
0x113: {  	[tilespmem:v29+s16+$0x0] =	vst.idx.add.f32.msk $0xffff, v0  }
0x114: {  	v26 =	vor.u32 v5, v13;
	[tilespmem:v28+s16+$0x0] =	vst.idx.add.f32.msk $0xffff, v32  }
0x115: {  	[tilespmem:v17+s16+$0x0] =	vst.idx.add.f32.msk $0xffff, v60  }
0x116: {  	[tilespmem:v30+s16+$0x0] =	vst.idx.add.f32.msk $0xffff, v23  }
0x117: {  	v0 =	vld [tilespmem:s25+$0xFFFFFE50]  }
0x118: {  	[tilespmem:v14+s16+$0x0] =	vst.idx.add.f32.msk $0xffff, v55  }
0x119: {  	[tilespmem:v26+s16+$0x0] =	vst.idx.add.f32.msk $0xffff, v57  }
0x11a: {  	v26 =	vld [tilespmem:$0x1FFE0]  }
0x11b: {  	v23 =	vld [tilespmem:s25+$0xFFFFFF50]  }
0x11c: {  	v62 =	vld [tilespmem:s25+$0x70]  }
0x11d: {  	v59 =	vld [tilespmem:s25+$0xFFFFFFE0]  }
0x11e: {  	v61 =	vld [tilespmem:s25+$0xE0]  }
0x11f: {  	v21 =	vor.u32 v6, v13;
	[tilespmem:v15+s16+$0x0] =	vst.idx.add.f32.msk $0xffff, v0  }
0x120: {  	[tilespmem:v25+s16+$0x0] =	vst.idx.add.f32.msk $0xffff, v23  }
0x121: {  	v0 =	vld [tilespmem:s25+$0xFFFFFE60]  }
0x122: {  	v25 =	vld [tilespmem:s25+$0x160]  }
0x123: {  	[tilespmem:v20+s16+$0x0] =	vst.idx.add.f32.msk $0xffff, v59  }
0x124: {  	[tilespmem:v21+s16+$0x0] =	vst.idx.add.f32.msk $0xffff, v61  }
0x125: {  	v58 =	vld [tilespmem:s25+$0xFFFFFF60]  }
0x126: {  	[tilespmem:v26+s16+$0x0] =	vst.idx.add.f32.msk $0xffff, v0  }
0x127: {  	v0 =	vld [tilespmem:s25+$0xFFFFFE70]  }
0x128: {  	v15 =	vld [tilespmem:s25+$0xFFFFFFF0]  }
0x129: {  	v63 =	vld [tilespmem:s25+$0xF0]  }
0x12a: {  	[tilespmem:v18+s16+$0x0] =	vst.idx.add.f32.msk $0xffff, v25  }
0x12b: {  	[tilespmem:v16+s16+$0x0] =	vst.idx.add.f32.msk $0xffff, v58  }
0x12c: {  	[tilespmem:v9+s16+$0x0] =	vst.idx.add.f32.msk $0xffff, v0  }
0x12d: {  	v13 =	vor.u32 v7, v13;
	v0 =	vld [tilespmem:$0x1FFF0]  }
0x12e: {  	v18 =	vld [tilespmem:s25+$0x170]  }
0x12f: {  	s26 =	sadd.s32 $0x8, s26;
	v14 =	vld [tilespmem:s25+$0xFFFFFF70]  }
0x130: {  	p1 =	slt.u32 s26, $0x78;
	[tilespmem:v10+s16+$0x0] =	vst.idx.add.f32.msk $0xffff, v62  }
.Ltmp0:
0x131: {  	[tilespmem:v12+s16+$0x0] =	vst.idx.add.f32.msk $0xffff, v15;
	(pc) =	sbr.rel @p1 .LBB2_4-.Ltmp0, $4  }
0x132: {  	[tilespmem:v13+s16+$0x0] =	vst.idx.add.f32.msk $0xffff, v63  }
0x133: {  	[tilespmem:v11+s16+$0x0] =	vst.idx.add.f32.msk $0xffff, v18  }
0x134: {  	[tilespmem:v8+s16+$0x0] =	vst.idx.add.f32.msk $0xffff, v14  }
0x135: {  	s28 =	sadd.s32 $0x400, s28;
	v25 =	vlaneseq.u32;
	[tilespmem:v0+s16+$0x0] =	vst.idx.add.f32.msk $0xffff, v1  }
0x136: {  	s25 =	simm.s32 @p0 $0x400;
	s26 =	simm.s32 @p0 $0x2000;
	s28 =	simm.s32 @p0 $0x0  }
0x137: {  	[tilespmem:s28], [sflag:$0x1] =	stream.strided.gather @p0 [hbm4b:s9+s25], $0x4000, s26, s25, $0x38;
	[tilespmem:$0x18000] =	vst v63  }
0x138: {  	s25 =	simm.s32 @p0 $0x8000  }
0x139: {  	[tilespmem:s25], [sflag:$0x3] =	stream.linear.gather @p0 [hbm4b:s10+s28], $0x4000, $0x38;
	[tilespmem:$0x18000] =	vst v63  }
0x13a: {  	_ =	swait.ge [sflag:s22], $0x4000  }
0x13b: {  	[sflag:s22] =	ssyncset.done $0x0  }
0x13c: {  	[sflag:s22] =	ssyncadd.s32 $0xFFFFC000  }
0x13d: {  	_ =	swait.ge [sflag:s23], $0x4000  }
0x13e: {  	[sflag:s23] =	ssyncset.done $0x0  }
0x13f: {  	s31 =	simm.s32 $0xC200;
	[sflag:s23] =	ssyncadd.s32 $0xFFFFC000  }
0x140: {  	v0 =	vld [tilespmem:s31+$0x180]  }
0x141: {  	v1 =	vld [tilespmem:s31+$0xFFFFFE80]  }
0x142: {  	s25 =	simm.s32 $0x4200;
	v10 =	vld [tilespmem:s31+$0xFFFFFF00]  }
0x143: {  	v8 =	vld [tilespmem:s25+$0x180]  }
0x144: {  	v11 =	vld [tilespmem:s31+$0xFFFFFF80]  }
0x145: {  	v12 =	vld [tilespmem:s31+$0xFFFFFE00]  }
0x146: {  	v13 =	vld [tilespmem:s31+$0x0]  }
0x147: {  	v14 =	vld [tilespmem:s31+$0x80]  }
0x148: {  	v17 =	vld [tilespmem:s31+$0x100];
	v0 =	vshll.u32 v0, $0x7  }
0x149: {  	v60 =	vld [tilespmem:s25+$0xFFFFFE00];
	v9 =	vor.u32 v25, v0  }
0x14a: {  	v20 =	vld [tilespmem:s25+$0xFFFFFF00]  }
0x14b: {  	v21 =	vld [tilespmem:s25+$0xFFFFFF80]  }
0x14c: {  	v63 =	vld [tilespmem:s25+$0x0];
	v10 =	vshll.u32 v10, $0x7  }
0x14d: {  	v30 =	vld [tilespmem:s25+$0x80];
	v62 =	vor.u32 v25, v10  }
0x14e: {  	[tilespmem:v9+s16+$0x0] =	vst.idx.add.f32.msk $0xffff, v8  }
0x14f: {  	v16 =	vor.u32 v24, v0;
	v9 =	vshll.u32 v12, $0x7;
	v15 =	vld [tilespmem:s25+$0x190]  }
0x150: {  	v31 =	vld [tilespmem:s25+$0x100];
	v8 =	vshll.u32 v1, $0x7;
	v18 =	vor.u32 v25, v9  }
0x151: {  	v1 =	vld [tilespmem:s25+$0xFFFFFE80];
	v12 =	vshll.u32 v13, $0x7;
	v19 =	vor.u32 v25, v8  }
0x152: {  	[tilespmem:v62+s16+$0x0] =	vst.idx.add.f32.msk $0xffff, v20;
	v13 =	vshll.u32 v14, $0x7;
	v29 =	vor.u32 v25, v12  }
0x153: {  	v22 =	vor.u32 v25, v13;
	v37 =	vld [tilespmem:s25+$0xFFFFFF10]  }
0x154: {  	[tilespmem:v16+s16+$0x0] =	vst.idx.add.f32.msk $0xffff, v15  }
0x155: {  	[tilespmem:v18+s16+$0x0] =	vst.idx.add.f32.msk $0xffff, v60  }
0x156: {  	[tilespmem:v19+s16+$0x0] =	vst.idx.add.f32.msk $0xffff, v1  }
0x157: {  	v11 =	vshll.u32 v11, $0x7;
	[tilespmem:v29+s16+$0x0] =	vst.idx.add.f32.msk $0xffff, v63  }
0x158: {  	v1 =	vor.u32 v25, v11;
	[tilespmem:v22+s16+$0x0] =	vst.idx.add.f32.msk $0xffff, v30  }
0x159: {  	v61 =	vor.u32 v2, v0;
	v15 =	vld [tilespmem:s25+$0x1A0]  }
0x15a: {  	v33 =	vld [tilespmem:s25+$0xFFFFFE10]  }
0x15b: {  	v36 =	vor.u32 v24, v8;
	v35 =	vld [tilespmem:s25+$0xFFFFFE90]  }
0x15c: {  	v41 =	vor.u32 v24, v12;
	v40 =	vld [tilespmem:s25+$0x10]  }
0x15d: {  	[tilespmem:v1+s16+$0x0] =	vst.idx.add.f32.msk $0xffff, v21  }
0x15e: {  	[tilespmem:v61+s16+$0x0] =	vst.idx.add.f32.msk $0xffff, v15  }
0x15f: {  	v14 =	vshll.u32 v17, $0x7;
	v38 =	vld [tilespmem:s25+$0xFFFFFF90]  }
0x160: {  	v1 =	vor.u32 v25, v14;
	[tilespmem:v36+s16+$0x0] =	vst.idx.add.f32.msk $0xffff, v35  }
0x161: {  	v39 =	vor.u32 v24, v11;
	[tilespmem:v41+s16+$0x0] =	vst.idx.add.f32.msk $0xffff, v40  }
0x162: {  	v28 =	vor.u32 v3, v0;
	v15 =	vld [tilespmem:s25+$0x1B0]  }
0x163: {  	v49 =	vld [tilespmem:s25+$0xFFFFFEA0]  }
0x164: {  	v53 =	vld [tilespmem:s25+$0x20]  }
0x165: {  	[tilespmem:v1+s16+$0x0] =	vst.idx.add.f32.msk $0xffff, v31;
	v1 =	vor.u32 v24, v9  }
0x166: {  	[tilespmem:v39+s16+$0x0] =	vst.idx.add.f32.msk $0xffff, v38  }
0x167: {  	v50 =	vor.u32 v2, v8;
	[tilespmem:v28+s16+$0x0] =	vst.idx.add.f32.msk $0xffff, v15  }
0x168: {  	v32 =	vor.u32 v4, v0;
	v15 =	vld [tilespmem:s25+$0x1C0]  }
0x169: {  	v46 =	vld [tilespmem:s25+$0x110]  }
0x16a: {  	[tilespmem:v1+s16+$0x0] =	vst.idx.add.f32.msk $0xffff, v33;
	v1 =	vor.u32 v24, v10  }
0x16b: {  	v52 =	vld [tilespmem:s25+$0xFFFFFFA0]  }
0x16c: {  	v54 =	vor.u32 v2, v12;
	[tilespmem:v50+s16+$0x0] =	vst.idx.add.f32.msk $0xffff, v49  }
0x16d: {  	[tilespmem:v32+s16+$0x0] =	vst.idx.add.f32.msk $0xffff, v15  }
0x16e: {  	v34 =	vor.u32 v5, v0;
	v15 =	vld [tilespmem:s25+$0x1D0]  }
0x16f: {  	[tilespmem:v1+s16+$0x0] =	vst.idx.add.f32.msk $0xffff, v37  }
0x170: {  	v44 =	vor.u32 v24, v13;
	v1 =	vld [tilespmem:s25+$0x90]  }
0x171: {  	[tilespmem:v54+s16+$0x0] =	vst.idx.add.f32.msk $0xffff, v53  }
0x172: {  	v48 =	vld [tilespmem:s25+$0xFFFFFE20]  }
0x173: {  	v45 =	vor.u32 v24, v14;
	[tilespmem:v34+s16+$0x0] =	vst.idx.add.f32.msk $0xffff, v15  }
0x174: {  	v43 =	vor.u32 v6, v0;
	v42 =	vld [tilespmem:s25+$0x1E0]  }
0x175: {  	[tilespmem:v44+s16+$0x0] =	vst.idx.add.f32.msk $0xffff, v1;
	v1 =	vor.u32 v2, v9  }
0x176: {  	v59 =	vld [tilespmem:s25+$0xFFFFFEB0]  }
0x177: {  	v62 =	vld [tilespmem:s25+$0x30]  }
0x178: {  	[tilespmem:v45+s16+$0x0] =	vst.idx.add.f32.msk $0xffff, v46  }
0x179: {  	[tilespmem:v43+s16+$0x0] =	vst.idx.add.f32.msk $0xffff, v42  }
0x17a: {  	[tilespmem:v1+s16+$0x0] =	vst.idx.add.f32.msk $0xffff, v48;
	v1 =	vor.u32 v2, v11  }
0x17b: {  	v0 =	vor.u32 v7, v0;
	v47 =	vld [tilespmem:s25+$0x1F0]  }
0x17c: {  	v57 =	vld [tilespmem:s25+$0x120]  }
0x17d: {  	v63 =	vor.u32 v3, v12;
	v56 =	vld [tilespmem:s25+$0xA0]  }
0x17e: {  	v58 =	vld [tilespmem:s25+$0xFFFFFE30]  }
0x17f: {  	[tilespmem:v1+s16+$0x0] =	vst.idx.add.f32.msk $0xffff, v52;
	v1 =	vor.u32 v3, v9  }
0x180: {  	v55 =	vor.u32 v2, v13;
	[tilespmem:v0+s16+$0x0] =	vst.idx.add.f32.msk $0xffff, v47  }
0x181: {  	v51 =	vor.u32 v2, v10;
	v0 =	vld [tilespmem:s25+$0xFFFFFF20]  }
0x182: {  	[tilespmem:v63+s16+$0x0] =	vst.idx.add.f32.msk $0xffff, v62  }
0x183: {  	v19 =	vld [tilespmem:s25+$0xFFFFFFB0]  }
0x184: {  	[tilespmem:v1+s16+$0x0] =	vst.idx.add.f32.msk $0xffff, v58;
	v1 =	vor.u32 v3, v11  }
0x185: {  	[tilespmem:v55+s16+$0x0] =	vst.idx.add.f32.msk $0xffff, v56  }
0x186: {  	[tilespmem:v51+s16+$0x0] =	vst.idx.add.f32.msk $0xffff, v0;
	v0 =	vor.u32 v2, v14  }
0x187: {  	v23 =	vld [tilespmem:s25+$0xB0]  }
0x188: {  	v61 =	vor.u32 v3, v10;
	v60 =	vld [tilespmem:s25+$0xFFFFFF30]  }
0x189: {  	[tilespmem:v1+s16+$0x0] =	vst.idx.add.f32.msk $0xffff, v19  }
0x18a: {  	v1 =	vld [tilespmem:s25+$0xFFFFFE40]  }
0x18b: {  	[tilespmem:v0+s16+$0x0] =	vst.idx.add.f32.msk $0xffff, v57;
	v0 =	vor.u32 v3, v8  }
0x18c: {  	v28 =	vor.u32 v3, v14;
	v29 =	vld [tilespmem:s25+$0x130]  }
0x18d: {  	[tilespmem:v61+s16+$0x0] =	vst.idx.add.f32.msk $0xffff, v60  }
0x18e: {  	v33 =	vor.u32 v4, v10;
	v32 =	vld [tilespmem:s25+$0xFFFFFF40]  }
0x18f: {  	v19 =	vld [tilespmem:s25+$0xFFFFFFC0]  }
0x190: {  	[tilespmem:v0+s16+$0x0] =	vst.idx.add.f32.msk $0xffff, v59  }
0x191: {  	v0 =	vor.u32 v3, v13;
	[tilespmem:v28+s16+$0x0] =	vst.idx.add.f32.msk $0xffff, v29  }
0x192: {  	v30 =	vor.u32 v4, v8;
	v31 =	vld [tilespmem:s25+$0xFFFFFEC0]  }
0x193: {  	[tilespmem:v33+s16+$0x0] =	vst.idx.add.f32.msk $0xffff, v32  }
0x194: {  	v37 =	vor.u32 v4, v14;
	v38 =	vld [tilespmem:s25+$0x140]  }
0x195: {  	v41 =	vld [tilespmem:s25+$0xFFFFFF50]  }
0x196: {  	v42 =	vor.u32 v5, v10;
	[tilespmem:v0+s16+$0x0] =	vst.idx.add.f32.msk $0xffff, v23  }
0x197: {  	[tilespmem:v30+s16+$0x0] =	vst.idx.add.f32.msk $0xffff, v31  }
0x198: {  	v0 =	vor.u32 v4, v9;
	v36 =	vld [tilespmem:s25+$0xC0]  }
0x199: {  	[tilespmem:v37+s16+$0x0] =	vst.idx.add.f32.msk $0xffff, v38  }
0x19a: {  	v40 =	vld [tilespmem:s25+$0xFFFFFED0]  }
0x19b: {  	v35 =	vor.u32 v4, v13;
	[tilespmem:v42+s16+$0x0] =	vst.idx.add.f32.msk $0xffff, v41  }
0x19c: {  	v39 =	vor.u32 v5, v8;
	v47 =	vld [tilespmem:s25+$0x150]  }
0x19d: {  	[tilespmem:v0+s16+$0x0] =	vst.idx.add.f32.msk $0xffff, v1;
	v0 =	vor.u32 v4, v11  }
0x19e: {  	v34 =	vor.u32 v4, v12;
	v1 =	vld [tilespmem:s25+$0x40]  }
0x19f: {  	v50 =	vld [tilespmem:s25+$0xFFFFFF60]  }
0x1a0: {  	[tilespmem:v35+s16+$0x0] =	vst.idx.add.f32.msk $0xffff, v36  }
0x1a1: {  	v46 =	vor.u32 v5, v14;
	[tilespmem:v39+s16+$0x0] =	vst.idx.add.f32.msk $0xffff, v40  }
0x1a2: {  	[tilespmem:v0+s16+$0x0] =	vst.idx.add.f32.msk $0xffff, v19  }
0x1a3: {  	[tilespmem:v34+s16+$0x0] =	vst.idx.add.f32.msk $0xffff, v1  }
0x1a4: {  	v0 =	vor.u32 v5, v9;
	v1 =	vld [tilespmem:s25+$0xFFFFFE50]  }
0x1a5: {  	v45 =	vld [tilespmem:s25+$0xD0]  }
0x1a6: {  	v51 =	vor.u32 v6, v10;
	[tilespmem:v46+s16+$0x0] =	vst.idx.add.f32.msk $0xffff, v47  }
0x1a7: {  	v49 =	vld [tilespmem:s25+$0xFFFFFEE0]  }
0x1a8: {  	v19 =	vld [tilespmem:s25+$0xFFFFFFD0]  }
0x1a9: {  	[tilespmem:v0+s16+$0x0] =	vst.idx.add.f32.msk $0xffff, v1;
	v0 =	vor.u32 v5, v11  }
0x1aa: {  	v43 =	vor.u32 v5, v12;
	v1 =	vld [tilespmem:s25+$0x50]  }
0x1ab: {  	[tilespmem:v51+s16+$0x0] =	vst.idx.add.f32.msk $0xffff, v50  }
0x1ac: {  	v44 =	vor.u32 v5, v13;
	v56 =	vld [tilespmem:s25+$0x160]  }
0x1ad: {  	v48 =	vor.u32 v6, v8;
	v58 =	vld [tilespmem:s25+$0xFFFFFF70]  }
0x1ae: {  	[tilespmem:v0+s16+$0x0] =	vst.idx.add.f32.msk $0xffff, v19  }
0x1af: {  	[tilespmem:v43+s16+$0x0] =	vst.idx.add.f32.msk $0xffff, v1  }
0x1b0: {  	v0 =	vor.u32 v6, v9;
	v1 =	vld [tilespmem:s25+$0xFFFFFE60]  }
0x1b1: {  	[tilespmem:v44+s16+$0x0] =	vst.idx.add.f32.msk $0xffff, v45  }
0x1b2: {  	v55 =	vor.u32 v6, v14;
	[tilespmem:v48+s16+$0x0] =	vst.idx.add.f32.msk $0xffff, v49  }
0x1b3: {  	v53 =	vld [tilespmem:s25+$0xE0]  }
0x1b4: {  	v19 =	vld [tilespmem:s25+$0xFFFFFFE0]  }
0x1b5: {  	[tilespmem:v0+s16+$0x0] =	vst.idx.add.f32.msk $0xffff, v1;
	v0 =	vor.u32 v6, v11  }
0x1b6: {  	v52 =	vor.u32 v6, v12;
	v1 =	vld [tilespmem:s25+$0x60]  }
0x1b7: {  	[tilespmem:v55+s16+$0x0] =	vst.idx.add.f32.msk $0xffff, v56  }
0x1b8: {  	v54 =	vor.u32 v6, v13;
	v57 =	vld [tilespmem:s25+$0xFFFFFEF0]  }
0x1b9: {  	v8 =	vor.u32 v7, v8;
	v63 =	vld [tilespmem:s25+$0x170]  }
0x1ba: {  	[tilespmem:v0+s16+$0x0] =	vst.idx.add.f32.msk $0xffff, v19  }
0x1bb: {  	[tilespmem:v52+s16+$0x0] =	vst.idx.add.f32.msk $0xffff, v1  }
0x1bc: {  	v0 =	vor.u32 v7, v9;
	v1 =	vld [tilespmem:s25+$0xFFFFFE70]  }
0x1bd: {  	[tilespmem:v54+s16+$0x0] =	vst.idx.add.f32.msk $0xffff, v53  }
0x1be: {  	v62 =	vor.u32 v7, v14;
	[tilespmem:v8+s16+$0x0] =	vst.idx.add.f32.msk $0xffff, v57  }
0x1bf: {  	v8 =	vor.u32 v7, v13;
	v61 =	vld [tilespmem:s25+$0xF0]  }
0x1c0: {  	v12 =	vor.u32 v7, v12;
	v60 =	vld [tilespmem:s25+$0x70]  }
0x1c1: {  	[tilespmem:v0+s16+$0x0] =	vst.idx.add.f32.msk $0xffff, v1;
	v0 =	vor.u32 v7, v10  }
0x1c2: {  	v59 =	vor.u32 v7, v11;
	v1 =	vld [tilespmem:s25+$0xFFFFFFF0]  }
0x1c3: {  	[tilespmem:v62+s16+$0x0] =	vst.idx.add.f32.msk $0xffff, v63  }
0x1c4: {  	[tilespmem:v8+s16+$0x0] =	vst.idx.add.f32.msk $0xffff, v61  }
0x1c5: {  	[tilespmem:v12+s16+$0x0] =	vst.idx.add.f32.msk $0xffff, v60  }
0x1c6: {  	[tilespmem:v0+s16+$0x0] =	vst.idx.add.f32.msk $0xffff, v58  }
0x1c7: {  	s26 =	simm.s32 $0x0;
	s28 =	simm.s32 $0xC600;
	[tilespmem:v59+s16+$0x0] =	vst.idx.add.f32.msk $0xffff, v1  }
.LBB2_6:
0x1c8: {  	v0 =	vld [tilespmem:s28+$0x180]  }
0x1c9: {  	v1 =	vld [tilespmem:s28+$0xFFFFFE80]  }
0x1ca: {  	v8 =	vld [tilespmem:s28+$0xFFFFFF00]  }
0x1cb: {  	v9 =	vld [tilespmem:s28+$0xFFFFFF80]  }
0x1cc: {  	v10 =	vld [tilespmem:s28+$0x0]  }
0x1cd: {  	v11 =	vld [tilespmem:s28+$0x80]  }
0x1ce: {  	s25 =	sadd.s32 $0x400, s25;
	v15 =	vld [tilespmem:s28+$0xFFFFFE00]  }
0x1cf: {  	v35 =	vld [tilespmem:s25+$0xFFFFFE00]  }
0x1d0: {  	v18 =	vld [tilespmem:s25+$0xFFFFFE80]  }
0x1d1: {  	v26 =	vld [tilespmem:s25+$0xFFFFFF80]  }
0x1d2: {  	v36 =	vshll.u32 v0, $0x7;
	v14 =	vshll.u32 v8, $0x7;
	v8 =	vld [tilespmem:s28+$0x100]  }
0x1d3: {  	v12 =	vshll.u32 v1, $0x7;
	v0 =	vld [tilespmem:s25+$0x180];
	v1 =	vor.u32 v25, v36  }
0x1d4: {  	v28 =	vld [tilespmem:s25+$0x0];
	v23 =	vshll.u32 v9, $0x7;
	v13 =	vor.u32 v25, v12  }
0x1d5: {  	v59 =	vld [tilespmem:s25+$0x80];
	v10 =	vshll.u32 v10, $0x7;
	v17 =	vor.u32 v25, v23  }
0x1d6: {  	v60 =	vld [tilespmem:s25+$0x100];
	v19 =	vor.u32 v25, v10  }
0x1d7: {  	v56 =	vshll.u32 v8, $0x7;
	v8 =	vshll.u32 v15, $0x7;
	v15 =	vld [tilespmem:s25+$0xFFFFFF00]  }
0x1d8: {  	v11 =	vshll.u32 v11, $0x7;
	v45 =	vor.u32 v24, v12;
	v16 =	vor.u32 v25, v14;
	[tilespmem:v1+s16+$0x0] =	vst.idx.add.f32.msk $0xffff, v0  }
0x1d9: {  	v20 =	vor.u32 v25, v11;
	v22 =	vor.u32 v25, v8;
	[tilespmem:v13+s16+$0x0] =	vst.idx.add.f32.msk $0xffff, v18  }
0x1da: {  	v54 =	vor.u32 v24, v11;
	v21 =	vor.u32 v25, v56;
	[tilespmem:v17+s16+$0x0] =	vst.idx.add.f32.msk $0xffff, v26  }
0x1db: {  	v51 =	vor.u32 v2, v11;
	v42 =	vor.u32 v3, v11;
	[tilespmem:v19+s16+$0x0] =	vst.idx.add.f32.msk $0xffff, v28  }
0x1dc: {  	v1 =	vor.u32 v24, v36;
	v57 =	vor.u32 v24, v56;
	v49 =	vor.u32 v2, v56;
	v0 =	vld [tilespmem:s25+$0x190]  }
0x1dd: {  	v43 =	vor.u32 v3, v56;
	v32 =	vor.u32 v4, v56;
	[tilespmem:v16+s16+$0x0] =	vst.idx.add.f32.msk $0xffff, v15  }
0x1de: {  	v26 =	vor.u32 v5, v11;
	v28 =	vor.u32 v5, v56;
	[tilespmem:v22+s16+$0x0] =	vst.idx.add.f32.msk $0xffff, v35  }
0x1df: {  	v18 =	vor.u32 v6, v56;
	v13 =	vor.u32 v7, v11;
	[tilespmem:v21+s16+$0x0] =	vst.idx.add.f32.msk $0xffff, v60  }
0x1e0: {  	v35 =	vor.u32 v4, v11;
	v21 =	vor.u32 v6, v11;
	v11 =	vor.u32 v7, v56;
	v56 =	vld [tilespmem:s25+$0xFFFFFF10]  }
0x1e1: {  	v52 =	vor.u32 v24, v14;
	v53 =	vor.u32 v24, v23;
	[tilespmem:v1+s16+$0x0] =	vst.idx.add.f32.msk $0xffff, v0  }
0x1e2: {  	v44 =	vor.u32 v2, v12;
	v46 =	vor.u32 v2, v23;
	v58 =	vor.u32 v24, v8;
	v61 =	vld [tilespmem:s25+$0xFFFFFE10]  }
0x1e3: {  	v40 =	vor.u32 v3, v12;
	v41 =	vor.u32 v3, v23;
	v25 =	vor.u32 v2, v36;
	v0 =	vld [tilespmem:s25+$0x1A0]  }
0x1e4: {  	v33 =	vor.u32 v4, v12;
	v34 =	vor.u32 v4, v23;
	[tilespmem:v20+s16+$0x0] =	vst.idx.add.f32.msk $0xffff, v59  }
0x1e5: {  	v50 =	vor.u32 v2, v8;
	v37 =	vor.u32 v3, v8;
	v29 =	vor.u32 v4, v8;
	v1 =	vld [tilespmem:s25+$0x110]  }
0x1e6: {  	v19 =	vor.u32 v6, v12;
	v20 =	vor.u32 v6, v23;
	[tilespmem:v52+s16+$0x0] =	vst.idx.add.f32.msk $0xffff, v56  }
0x1e7: {  	v9 =	vor.u32 v7, v8;
	v15 =	vor.u32 v5, v8;
	[tilespmem:v58+s16+$0x0] =	vst.idx.add.f32.msk $0xffff, v61  }
0x1e8: {  	v16 =	vor.u32 v5, v23;
	v22 =	vor.u32 v5, v12;
	[tilespmem:v25+s16+$0x0] =	vst.idx.add.f32.msk $0xffff, v0  }
0x1e9: {  	v0 =	vor.u32 v6, v8;
	v8 =	vor.u32 v7, v12;
	v12 =	vor.u32 v7, v23;
	v23 =	vld [tilespmem:s25+$0xFFFFFE90]  }
0x1ea: {  	v63 =	vor.u32 v3, v36;
	v62 =	vld [tilespmem:s25+$0x1B0]  }
0x1eb: {  	[tilespmem:v57+s16+$0x0] =	vst.idx.add.f32.msk $0xffff, v1  }
0x1ec: {  	[tilespmem:$0x1FFC0] =	vst v0;
	v0 =	vor.u32 v6, v14  }
0x1ed: {  	[tilespmem:$0x1FFD0] =	vst v0;
	v0 =	vld [tilespmem:s25+$0x90]  }
0x1ee: {  	[tilespmem:v45+s16+$0x0] =	vst.idx.add.f32.msk $0xffff, v23  }
0x1ef: {  	[tilespmem:v63+s16+$0x0] =	vst.idx.add.f32.msk $0xffff, v62  }
0x1f0: {  	v62 =	vld [tilespmem:s25+$0xFFFFFF90]  }
0x1f1: {  	v63 =	vld [tilespmem:s25+$0x10]  }
0x1f2: {  	v55 =	vor.u32 v24, v10;
	v1 =	vld [tilespmem:s25+$0xFFFFFEA0]  }
0x1f3: {  	v59 =	vld [tilespmem:s25+$0x1C0]  }
0x1f4: {  	[tilespmem:v54+s16+$0x0] =	vst.idx.add.f32.msk $0xffff, v0  }
0x1f5: {  	v0 =	vld [tilespmem:s25+$0xFFFFFE20]  }
0x1f6: {  	v60 =	vor.u32 v4, v36;
	[tilespmem:v53+s16+$0x0] =	vst.idx.add.f32.msk $0xffff, v62  }
0x1f7: {  	[tilespmem:v55+s16+$0x0] =	vst.idx.add.f32.msk $0xffff, v63  }
0x1f8: {  	v62 =	vld [tilespmem:s25+$0xA0]  }
0x1f9: {  	v63 =	vld [tilespmem:s25+$0x120]  }
0x1fa: {  	[tilespmem:v44+s16+$0x0] =	vst.idx.add.f32.msk $0xffff, v1  }
0x1fb: {  	[tilespmem:v60+s16+$0x0] =	vst.idx.add.f32.msk $0xffff, v59  }
0x1fc: {  	[tilespmem:v50+s16+$0x0] =	vst.idx.add.f32.msk $0xffff, v0  }
0x1fd: {  	v1 =	vld [tilespmem:s25+$0xFFFFFEB0]  }
0x1fe: {  	v59 =	vld [tilespmem:s25+$0x1D0]  }
0x1ff: {  	v0 =	vld [tilespmem:s25+$0xFFFFFE30]  }
0x200: {  	v60 =	vor.u32 v5, v36;
	[tilespmem:v51+s16+$0x0] =	vst.idx.add.f32.msk $0xffff, v62  }
0x201: {  	[tilespmem:v49+s16+$0x0] =	vst.idx.add.f32.msk $0xffff, v63  }
0x202: {  	v51 =	vld [tilespmem:s25+$0xB0]  }
0x203: {  	v52 =	vld [tilespmem:s25+$0x130]  }
0x204: {  	[tilespmem:v40+s16+$0x0] =	vst.idx.add.f32.msk $0xffff, v1  }
0x205: {  	[tilespmem:v60+s16+$0x0] =	vst.idx.add.f32.msk $0xffff, v59  }
0x206: {  	v59 =	vld [tilespmem:s25+$0xFFFFFF20]  }
0x207: {  	[tilespmem:v37+s16+$0x0] =	vst.idx.add.f32.msk $0xffff, v0  }
0x208: {  	v48 =	vor.u32 v2, v14;
	v1 =	vld [tilespmem:s25+$0xFFFFFEC0]  }
0x209: {  	v60 =	vld [tilespmem:s25+$0x1E0]  }
0x20a: {  	v0 =	vld [tilespmem:s25+$0xFFFFFE40]  }
0x20b: {  	[tilespmem:v42+s16+$0x0] =	vst.idx.add.f32.msk $0xffff, v51  }
0x20c: {  	v61 =	vor.u32 v6, v36;
	[tilespmem:v43+s16+$0x0] =	vst.idx.add.f32.msk $0xffff, v52  }
0x20d: {  	[tilespmem:v48+s16+$0x0] =	vst.idx.add.f32.msk $0xffff, v59  }
0x20e: {  	v54 =	vld [tilespmem:s25+$0xC0]  }
0x20f: {  	v55 =	vld [tilespmem:s25+$0x140]  }
0x210: {  	[tilespmem:v33+s16+$0x0] =	vst.idx.add.f32.msk $0xffff, v1  }
0x211: {  	[tilespmem:v61+s16+$0x0] =	vst.idx.add.f32.msk $0xffff, v60  }
0x212: {  	v60 =	vld [tilespmem:s25+$0xFFFFFFA0]  }
0x213: {  	v61 =	vld [tilespmem:s25+$0x20]  }
0x214: {  	v23 =	vld [tilespmem:s25+$0xFFFFFF30]  }
0x215: {  	[tilespmem:v29+s16+$0x0] =	vst.idx.add.f32.msk $0xffff, v0  }
0x216: {  	v1 =	vld [tilespmem:s25+$0xFFFFFED0]  }
0x217: {  	v47 =	vor.u32 v2, v10;
	v58 =	vld [tilespmem:s25+$0x1F0]  }
0x218: {  	v38 =	vor.u32 v3, v14;
	v0 =	vld [tilespmem:s25+$0xFFFFFE50]  }
0x219: {  	[tilespmem:v35+s16+$0x0] =	vst.idx.add.f32.msk $0xffff, v54  }
0x21a: {  	[tilespmem:v32+s16+$0x0] =	vst.idx.add.f32.msk $0xffff, v55  }
0x21b: {  	v36 =	vor.u32 v7, v36;
	[tilespmem:v46+s16+$0x0] =	vst.idx.add.f32.msk $0xffff, v60  }
0x21c: {  	[tilespmem:v47+s16+$0x0] =	vst.idx.add.f32.msk $0xffff, v61  }
0x21d: {  	[tilespmem:v38+s16+$0x0] =	vst.idx.add.f32.msk $0xffff, v23  }
0x21e: {  	v32 =	vld [tilespmem:s25+$0x150]  }
0x21f: {  	[tilespmem:v22+s16+$0x0] =	vst.idx.add.f32.msk $0xffff, v1  }
0x220: {  	[tilespmem:v36+s16+$0x0] =	vst.idx.add.f32.msk $0xffff, v58  }
0x221: {  	v36 =	vld [tilespmem:s25+$0xFFFFFFB0]  }
0x222: {  	v50 =	vld [tilespmem:s25+$0x30]  }
0x223: {  	v23 =	vld [tilespmem:s25+$0xFFFFFF40]  }
0x224: {  	v58 =	vld [tilespmem:s25+$0xD0]  }
0x225: {  	v39 =	vor.u32 v3, v10;
	[tilespmem:v15+s16+$0x0] =	vst.idx.add.f32.msk $0xffff, v0  }
0x226: {  	v30 =	vor.u32 v4, v14;
	v1 =	vld [tilespmem:s25+$0xFFFFFEE0]  }
0x227: {  	v0 =	vld [tilespmem:s25+$0xFFFFFE60]  }
0x228: {  	[tilespmem:v28+s16+$0x0] =	vst.idx.add.f32.msk $0xffff, v32  }
0x229: {  	[tilespmem:v41+s16+$0x0] =	vst.idx.add.f32.msk $0xffff, v36  }
0x22a: {  	[tilespmem:v39+s16+$0x0] =	vst.idx.add.f32.msk $0xffff, v50  }
0x22b: {  	[tilespmem:v30+s16+$0x0] =	vst.idx.add.f32.msk $0xffff, v23  }
0x22c: {  	[tilespmem:v26+s16+$0x0] =	vst.idx.add.f32.msk $0xffff, v58  }
0x22d: {  	v26 =	vld [tilespmem:$0x1FFC0]  }
0x22e: {  	[tilespmem:v19+s16+$0x0] =	vst.idx.add.f32.msk $0xffff, v1  }
0x22f: {  	v36 =	vld [tilespmem:s25+$0xFFFFFFC0]  }
0x230: {  	v31 =	vor.u32 v4, v10;
	v53 =	vld [tilespmem:s25+$0x40]  }
0x231: {  	v25 =	vor.u32 v5, v14;
	v23 =	vld [tilespmem:s25+$0xFFFFFF50]  }
0x232: {  	v61 =	vld [tilespmem:s25+$0xE0]  }
0x233: {  	v1 =	vld [tilespmem:s25+$0xFFFFFEF0]  }
0x234: {  	[tilespmem:v34+s16+$0x0] =	vst.idx.add.f32.msk $0xffff, v36  }
0x235: {  	[tilespmem:v31+s16+$0x0] =	vst.idx.add.f32.msk $0xffff, v53  }
0x236: {  	[tilespmem:v25+s16+$0x0] =	vst.idx.add.f32.msk $0xffff, v23  }
0x237: {  	v25 =	vld [tilespmem:s25+$0x160]  }
0x238: {  	[tilespmem:v21+s16+$0x0] =	vst.idx.add.f32.msk $0xffff, v61  }
0x239: {  	[tilespmem:v8+s16+$0x0] =	vst.idx.add.f32.msk $0xffff, v1  }
0x23a: {  	v56 =	vld [tilespmem:s25+$0xFFFFFFD0]  }
0x23b: {  	v57 =	vld [tilespmem:s25+$0x50]  }
0x23c: {  	v59 =	vld [tilespmem:s25+$0xFFFFFF60]  }
0x23d: {  	v27 =	vor.u32 v5, v10;
	v62 =	vld [tilespmem:s25+$0xF0]  }
0x23e: {  	[tilespmem:v26+s16+$0x0] =	vst.idx.add.f32.msk $0xffff, v0  }
0x23f: {  	v0 =	vld [tilespmem:$0x1FFD0]  }
0x240: {  	[tilespmem:v18+s16+$0x0] =	vst.idx.add.f32.msk $0xffff, v25  }
0x241: {  	[tilespmem:v16+s16+$0x0] =	vst.idx.add.f32.msk $0xffff, v56  }
0x242: {  	[tilespmem:v27+s16+$0x0] =	vst.idx.add.f32.msk $0xffff, v57  }
0x243: {  	v63 =	vld [tilespmem:s25+$0x170]  }
0x244: {  	[tilespmem:v13+s16+$0x0] =	vst.idx.add.f32.msk $0xffff, v62  }
0x245: {  	v16 =	vld [tilespmem:s25+$0xFFFFFFE0]  }
0x246: {  	v17 =	vor.u32 v6, v10;
	v60 =	vld [tilespmem:s25+$0x60]  }
0x247: {  	[tilespmem:v0+s16+$0x0] =	vst.idx.add.f32.msk $0xffff, v59  }
0x248: {  	v0 =	vld [tilespmem:s25+$0xFFFFFE70]  }
0x249: {  	v15 =	vld [tilespmem:s25+$0xFFFFFF70]  }
0x24a: {  	[tilespmem:v20+s16+$0x0] =	vst.idx.add.f32.msk $0xffff, v16  }
0x24b: {  	v14 =	vor.u32 v7, v14;
	[tilespmem:v17+s16+$0x0] =	vst.idx.add.f32.msk $0xffff, v60  }
0x24c: {  	s26 =	sadd.s32 $0x8, s26;
	v16 =	vld [tilespmem:s25+$0xFFFFFFF0]  }
0x24d: {  	p1 =	slt.u32 s26, $0x78;
	v10 =	vor.u32 v7, v10;
	v17 =	vld [tilespmem:s25+$0x70]  }
.Ltmp1:
0x24e: {  	[tilespmem:v11+s16+$0x0] =	vst.idx.add.f32.msk $0xffff, v63;
	(pc) =	sbr.rel @p1 .LBB2_6-.Ltmp1, $4  }
0x24f: {  	[tilespmem:v9+s16+$0x0] =	vst.idx.add.f32.msk $0xffff, v0  }
0x250: {  	[tilespmem:v14+s16+$0x0] =	vst.idx.add.f32.msk $0xffff, v15  }
0x251: {  	[tilespmem:v12+s16+$0x0] =	vst.idx.add.f32.msk $0xffff, v16  }
0x252: {  	s28 =	sadd.s32 $0x400, s28;
	v25 =	vlaneseq.u32;
	[tilespmem:v10+s16+$0x0] =	vst.idx.add.f32.msk $0xffff, v17  }
.Ltmp2:
0x253: {  	(pc) =	sbr.rel @p0 .LBB2_3-.Ltmp2, $2  }
0x254: {  	_ =	sdelay $0x2  }
0x255: {  	s25 =	simm.s32 $0x100;
	p1 =	por $0x0, $0x0  }
0x256: {  	s24 =	sadd.s32 $0x1, s24  }
0x257: {  	p0 =	sne.s32 s24, s12  }
.Ltmp3:
0x258: {  	_ = 	snop;
	(pc) =	sbr.rel @p0 .LBB2_1-.Ltmp3, $4  }
0x259: {  	[hbm4b:s11+s2] =	stream.linear.scatter [tilespmem:s16], [sflag:$0x5], $0x8000, $0x38;
	[tilespmem:$0x18000] =	vst v63  }
0x25a: {  	_ =	swait.ge [sflag:s17], $0x8000  }
0x25b: {  	[sflag:s17] =	ssyncset.done $0x0  }
0x25c: {  	[sflag:s17] =	ssyncadd.s32 $0xFFFF8000  }
0x25d: {  	_ =	sfence.sel $0x180000  }
0x25e: {  	[bflag:$0x0] =	sbarrier.arrive $0xFFFF  }
0x25f: {  	p0 =	sne.s32 s1, $0x0;
	_ =	strace $0x90000047  }
0x260: {  	s0 =	sadd.s32 @!p0 $0x100000, s0;
	[bflag:$0x2] =	sbarrier.arrive $0xFFFF  }
0x261: {  	[sflag:s0] =	ssyncadd.tile.s32 @!p0 $0x1;
	_ =	shalt  }
.Lfunc_end2:
_tile_overlayer_lowered:
.L_overlay_start_2:
0x262: {  	(tag) =	ssettag $0x2  }
0x263: {  	s0 =	rddreg [dreg:$0x0];
	s2 =	stileid.u32  }
0x264: {  	s1 =	rddreg [dreg:$0x1];
	p0 =	sne.s32 s2, $0x0  }
0x265: {  	s3 =	rddreg [dreg:$0x2];
	[bflag:$0x3] =	sbarrier.arrive $0xFFFF;
	s2 =	simm.s32 @!p0 $0x1C05  }
0x266: {  	[timem:s3], [sflag:s2] =	dma.local @!p0 [hbm:s0], s1  }
0x267: {  	s0 =	simm.s32 @!p0 $0x5  }
0x268: {  	_ =	swait.ge @!p0 [sflag:s0], s1  }
0x269: {  	s1 =	ssub.s32 @!p0 $0x0, s1;
	[sflag:s0] =	ssyncset.done @!p0 $0x0  }
0x26a: {  	[sflag:s0] =	ssyncadd.s32 @!p0 s1  }
0x26b: {  	[bflag:$0x3] =	sbarrier.arrive $0xFFFF  }
0x26c: {  	_ =	shalt  }

</sc_bundles>
